<compile_context>
chip_gen: v7x
topology: tpu7x:2x2x1
jax: 0.10.2.dev20260603
libtpu: 0.0.44.dev20260713+nightly
codegen_flags: <defaults>
</compile_context>

<pallas_src>
import functools

import jax
import jax.numpy as jnp
from jax import lax
from jax.experimental import pallas as pl
from jax.experimental.pallas import tpu as pltpu
from jax.experimental.pallas import tpu_sc as plsc

NC = 2
NS = 16
NW = NC * NS

ZROWS = 625


def _vmesh():
  return plsc.VectorSubcoreMesh(
      core_axis_name="c", subcore_axis_name="s", num_cores=NC, num_subcores=NS)


def _sc_degrees(src, dst, zeros_n, n):
  e = src.shape[0]
  per_w = e // NW

  out_sds = jax.ShapeDtypeStruct((NW, n), jnp.float32)

  @functools.partial(
      pl.kernel,
      out_type=(out_sds, out_sds),
      mesh=_vmesh(),
      compiler_params=pltpu.CompilerParams(needs_layout_passes=False),
      scratch_types=[
          pltpu.VMEM((per_w,), jnp.int32),
          pltpu.VMEM((per_w,), jnp.int32),
          pltpu.VMEM((n,), jnp.float32),
          pltpu.VMEM((n,), jnp.float32),
      ],
  )
  def deg_kernel(src_hbm, dst_hbm, zeros_hbm,
                 dego_hbm, degi_hbm,
                 idx_s, idx_d, hist_o, hist_i):
    cid = lax.axis_index("c")
    sid = lax.axis_index("s")
    wid = sid * jnp.int32(NC) + cid
    base = wid * jnp.int32(per_w)
    pltpu.sync_copy(src_hbm.at[pl.ds(base, per_w)], idx_s)
    pltpu.sync_copy(dst_hbm.at[pl.ds(base, per_w)], idx_d)
    pltpu.sync_copy(zeros_hbm, hist_o)
    pltpu.sync_copy(zeros_hbm, hist_i)
    ones16 = jnp.full((16,), 1.0, jnp.float32)

    def step_body(i, carry):
      off = i * jnp.int32(16)
      plsc.addupdate_scatter(hist_o, [idx_s[pl.ds(off, 16)]], ones16)
      plsc.addupdate_scatter(hist_i, [idx_d[pl.ds(off, 16)]], ones16)
      return carry

    lax.fori_loop(jnp.int32(0), jnp.int32(per_w // 16), step_body,
                  jnp.int32(0))

    pltpu.sync_copy(hist_o, dego_hbm.at[wid])
    pltpu.sync_copy(hist_i, degi_hbm.at[wid])

  return deg_kernel(src, dst, zeros_n)


def _sc_edge_agg(h, src, dst, zeros, k):
  n, d = h.shape
  e = src.shape[0]
  per_w = e // NW
  steps = per_w // k
  rem = per_w % k
  nz = n // ZROWS

  pairs = steps // 2

  scratch = [
      pltpu.VMEM((k,), jnp.int32),
      pltpu.VMEM((k,), jnp.int32),
      pltpu.VMEM((k,), jnp.int32),
      pltpu.VMEM((k,), jnp.int32),
      pltpu.VMEM((k, d), jnp.float32),
      pltpu.VMEM((k, d), jnp.float32),
      pltpu.VMEM_SHARED((n, d), jnp.float32),
      pltpu.SemaphoreType.DMA,
      pltpu.SemaphoreType.DMA,
  ]
  if rem:
    scratch.append(pltpu.VMEM((rem,), jnp.int32))

  @functools.partial(
      pl.kernel,
      out_type=jax.ShapeDtypeStruct((NC * n, d), jnp.float32),
      mesh=_vmesh(),
      compiler_params=pltpu.CompilerParams(use_tc_tiling_on_sc=False),
      scratch_types=scratch,
  )
  def agg_kernel(h_hbm, src_hbm, dst_hbm, zeros_hbm, out_hbm,
                 idx_s0, idx_d0, idx_s1, idx_d1, rows0, rows1,
                 agg_sh, sem0, sem1, *rest):
    cid = lax.axis_index("c")
    sid = lax.axis_index("s")
    wid = sid * jnp.int32(NC) + cid
    base0 = wid * jnp.int32(per_w)

    @pl.when(sid < jnp.int32(nz))
    def _():
      pltpu.sync_copy(zeros_hbm, agg_sh.at[pl.ds(sid * jnp.int32(ZROWS), ZROWS)])

    plsc.subcore_barrier()

    pltpu.sync_copy(src_hbm.at[pl.ds(base0, k)], idx_s0)
    pltpu.sync_copy(dst_hbm.at[pl.ds(base0, k)], idx_d0)
    pltpu.async_copy(h_hbm.at[idx_s0], rows0, sem0)

    def pair_body(i, carry):
      b1 = base0 + (jnp.int32(2) * i + jnp.int32(1)) * jnp.int32(k)
      pltpu.sync_copy(src_hbm.at[pl.ds(b1, k)], idx_s1)
      pltpu.sync_copy(dst_hbm.at[pl.ds(b1, k)], idx_d1)
      pltpu.async_copy(h_hbm.at[idx_s1], rows1, sem1)
      pltpu.make_async_copy(h_hbm.at[idx_s0], rows0, sem0).wait()
      pltpu.sync_copy(rows0, agg_sh.at[idx_d0], add=True)

      @pl.when(i < jnp.int32(pairs - 1))
      def _():
        b2 = base0 + (jnp.int32(2) * i + jnp.int32(2)) * jnp.int32(k)
        pltpu.sync_copy(src_hbm.at[pl.ds(b2, k)], idx_s0)
        pltpu.sync_copy(dst_hbm.at[pl.ds(b2, k)], idx_d0)
        pltpu.async_copy(h_hbm.at[idx_s0], rows0, sem0)

      pltpu.make_async_copy(h_hbm.at[idx_s1], rows1, sem1).wait()
      pltpu.sync_copy(rows1, agg_sh.at[idx_d1], add=True)
      return carry

    lax.fori_loop(jnp.int32(0), jnp.int32(pairs), pair_body, jnp.int32(0))

    if steps % 2 == 1:
      blast = base0 + jnp.int32((steps - 1) * k)
      pltpu.sync_copy(src_hbm.at[pl.ds(blast, k)], idx_s0)
      pltpu.sync_copy(dst_hbm.at[pl.ds(blast, k)], idx_d0)
      pltpu.async_copy(h_hbm.at[idx_s0], rows0, sem0).wait()
      pltpu.sync_copy(rows0, agg_sh.at[idx_d0], add=True)

    if rem:
      idx_de = rest[0]
      bt = base0 + jnp.int32(per_w - k)
      pltpu.sync_copy(src_hbm.at[pl.ds(bt, k)], idx_s0)
      pltpu.sync_copy(dst_hbm.at[pl.ds(bt + jnp.int32(k - rem), rem)], idx_de)
      pltpu.async_copy(h_hbm.at[idx_s0], rows0, sem0).wait()
      pltpu.sync_copy(rows0.at[pl.ds(k - rem, rem)], agg_sh.at[idx_de],
                      add=True)

    plsc.subcore_barrier()

    @pl.when(sid < jnp.int32(nz))
    def _():
      row0 = sid * jnp.int32(ZROWS)
      pltpu.sync_copy(agg_sh.at[pl.ds(row0, ZROWS)],
                      out_hbm.at[pl.ds(cid * jnp.int32(n) + row0, ZROWS)])

  return agg_kernel(h, src, dst, zeros)


def _deg_to_norm(dp, n):
  del n
  deg = dp.sum(axis=0)
  return jnp.where(deg > 0.0, lax.rsqrt(deg), 0.0)


def _tc_layer1(x, w, dego_p):
  n = x.shape[0]

  def body(x_ref, w_ref, dp_ref, o_ref):
    ns = _deg_to_norm(dp_ref[...], n)
    o_ref[...] = jnp.dot(x_ref[...] * ns[:, None], w_ref[...],
                         preferred_element_type=jnp.float32)

  return pl.pallas_call(
      body,
      out_shape=jax.ShapeDtypeStruct((n, w.shape[1]), jnp.float32),
  )(x, w, dego_p)


def _tc_mid(p1, degi_p, dego_p, b1, w2):
  n = p1.shape[0] // 2
  do = w2.shape[1]

  def body(p_ref, di_ref, dd_ref, b_ref, w_ref, o_ref):
    p = p_ref[...]
    agg = p[:n] + p[n:]
    nd = _deg_to_norm(di_ref[...], n)
    ns = _deg_to_norm(dd_ref[...], n)
    h = jnp.maximum(agg * nd[:, None] + b_ref[...], 0.0)
    o_ref[...] = jnp.dot(h, w_ref[...],
                         preferred_element_type=jnp.float32) * ns[:, None]

  return pl.pallas_call(
      body,
      out_shape=jax.ShapeDtypeStruct((n, do), jnp.float32),
  )(p1, degi_p, dego_p, b1.reshape(1, -1), w2)


def _tc_final(p2, degi_p, b2):
  n = p2.shape[0] // 2
  d = p2.shape[1]

  def body(p_ref, di_ref, b_ref, o_ref):
    p = p_ref[...]
    agg = p[:n] + p[n:]
    nd = _deg_to_norm(di_ref[...], n)
    o_ref[...] = agg * nd[:, None] + b_ref[...]

  return pl.pallas_call(
      body,
      out_shape=jax.ShapeDtypeStruct((n, d), jnp.float32),
  )(p2, degi_p, b2.reshape(1, -1))


def kernel(features, edge_index, W1, b1, W2, b2):
  n = features.shape[0]
  features = features.astype(jnp.float32)
  W1 = W1.astype(jnp.float32)
  b1 = b1.astype(jnp.float32)
  W2 = W2.astype(jnp.float32)
  b2 = b2.astype(jnp.float32)
  src = edge_index[0].astype(jnp.int32)
  dst = edge_index[1].astype(jnp.int32)

  zn = jnp.zeros((n,), jnp.float32)
  zh = jnp.zeros((ZROWS, W1.shape[1]), jnp.float32)
  zo = jnp.zeros((ZROWS, W2.shape[1]), jnp.float32)

  dego_p, degi_p = _sc_degrees(src, dst, zn, n)
  h1 = _tc_layer1(features, W1, dego_p)
  p1 = _sc_edge_agg(h1, src, dst, zh, 192)
  h2 = _tc_mid(p1, degi_p, dego_p, b1, W2)
  p2 = _sc_edge_agg(h2, src, dst, zo, 344)
  return _tc_final(p2, degi_p, b2)

# --- scband reference (transcript-rebuilt; emitter-appended) ---
"""Pipeline reference for scband-gcn-56143812493496 (READ-ONLY COPY).

The authoritative reference and input builder live on the scoring server;
editing this copy changes nothing except your own understanding.
"""

import jax
jax.config.update("jax_enable_x64", True)
import jax.numpy as jnp
import numpy as np

N_NODES = 10000
N_EDGES = 320000
D_IN = 128
D_HID = 128
D_OUT = 64


def setup_inputs(seed: int = 0) -> dict:
    key = jax.random.key(seed)
    k1, k2, k3, k4, k5, k6 = jax.random.split(key, 6)
    features = jax.random.normal(k1, (N_NODES, D_IN), dtype=jnp.float32)
    edge_index = jax.random.randint(k2, (2, N_EDGES), 0, N_NODES, dtype=jnp.int64)
    # GraphConv layer 1 params (glorot-ish init)
    W1 = jax.random.normal(k3, (D_IN, D_HID), dtype=jnp.float32) * np.sqrt(2.0 / (D_IN + D_HID))
    b1 = jnp.zeros((D_HID,), dtype=jnp.float32)
    # GraphConv layer 2 params
    W2 = jax.random.normal(k4, (D_HID, D_OUT), dtype=jnp.float32) * np.sqrt(2.0 / (D_HID + D_OUT))
    b2 = jnp.zeros((D_OUT,), dtype=jnp.float32)
    return {"features": features, "edge_index": edge_index, "W1": W1, "b1": b1, "W2": W2, "b2": b2}


def _gcn_layer(x, W, b, src, dst):
    # DGL GraphConv with norm='both': h = D_dst^{-1/2} A D_src^{-1/2} (X W) + b
    ones = jnp.ones((src.shape[0],), dtype=jnp.float32)
    deg_out = jnp.zeros((N_NODES,), dtype=jnp.float32).at[src].add(ones)
    deg_in = jnp.zeros((N_NODES,), dtype=jnp.float32).at[dst].add(ones)
    norm_src = jnp.where(deg_out > 0, jnp.where(deg_out > 0, deg_out, 1.0) ** -0.5, 0.0)
    norm_dst = jnp.where(deg_in > 0, jnp.where(deg_in > 0, deg_in, 1.0) ** -0.5, 0.0)
    h = x @ W
    h = h * norm_src[:, None]
    msg = jnp.take(h, src, axis=0)                      # gather along edges
    agg = jnp.zeros((N_NODES, h.shape[1]), dtype=jnp.float32).at[dst].add(msg)  # scatter-add
    agg = agg * norm_dst[:, None]
    return agg + b


def reference(features, edge_index, W1, b1, W2, b2):
    src = edge_index[0]
    dst = edge_index[1]
    # layer 1 (+ relu; dropout is identity in eval mode)
    h = _gcn_layer(features, W1, b1, src, dst)
    h = jax.nn.relu(h)
    # layer 2 (no activation on final layer)
    out = _gcn_layer(h, W2, b2, src, dst)
    return out

if __name__ == "__main__":
    import jax
    _d = setup_inputs()
    print(jax.jit(kernel)(*tuple(_d.values())))

</pallas_src>

<mosaic_0001>
#map = affine_map<(d0, d1) -> (0, 0)>
#map1 = affine_map<(d0, d1) -> (0)>
module attributes {stable_mosaic.version = 14 : i64} {
  func.func @agg_kernel(%arg0: i32, %arg1: i32, %arg2: memref<10000x64xf32, #tpu.memory_space<hbm>>, %arg3: memref<320000xi32, #tpu.memory_space<hbm>>, %arg4: memref<320000xi32, #tpu.memory_space<hbm>>, %arg5: memref<625x64xf32, #tpu.memory_space<hbm>>, %arg6: memref<20000x64xf32, #tpu.memory_space<hbm>>, %arg7: memref<344xi32, #tpu.memory_space<vmem>>, %arg8: memref<344xi32, #tpu.memory_space<vmem>>, %arg9: memref<344xi32, #tpu.memory_space<vmem>>, %arg10: memref<344xi32, #tpu.memory_space<vmem>>, %arg11: memref<344x64xf32, #tpu.memory_space<vmem>>, %arg12: memref<344x64xf32, #tpu.memory_space<vmem>>, %arg13: memref<10000x64xf32, #tpu.memory_space<vmem_shared>>, %arg14: memref<!tpu.dma_semaphore, #tpu.memory_space<semaphore_mem>>, %arg15: memref<!tpu.dma_semaphore, #tpu.memory_space<semaphore_mem>>, %arg16: memref<24xi32, #tpu.memory_space<vmem>>) attributes {dimension_semantics = [#tpu.dimension_semantics<core_parallel>, #tpu.dimension_semantics<subcore_parallel>], iteration_bounds = array<i64: 2, 16>, scalar_prefetch = 0 : i64, scratch_operands = 10 : i64, tpu.core_type = #tpu.core_type<sc_vector_subcore>, window_params = [{transform_indices = #map}, {transform_indices = #map1}, {transform_indices = #map1}, {transform_indices = #map}, {transform_indices = #map}]} {
    %mul3A = arith.constant 2 : i32
    %mul3A_0 = arith.muli %arg1, %mul3A : i32
    %add3A = arith.addi %mul3A_0, %arg0 : i32
    %mul3A_1 = arith.constant 10000 : i32
    %mul3A_2 = arith.muli %add3A, %mul3A_1 : i32
    %lt3A = arith.constant 16 : i32
    %lt3A_3 = arith.cmpi slt, %arg1, %lt3A : i32
    %convert_element_type3A = arith.extui %lt3A_3 : i1 to i32
    %cond3A = arith.constant 0 : i32
    %cond3A_4 = arith.cmpi ne, %convert_element_type3A, %cond3A : i32
    scf.if %cond3A_4 {
      %mul3A_40 = arith.constant 625 : i32
      %mul3A_41 = arith.muli %arg1, %mul3A_40 : i32
      "tpu.region"() ({
        %run_scoped3A = tpu.sem_alloc : memref<!tpu.dma_semaphore, #tpu.memory_space<semaphore_mem>>
        %dma_start3A_42 = arith.constant 0 : i32
        %dma_start3A_43 = tpu.memref_slice %arg13[%mul3A_41, %dma_start3A_42] : memref<10000x64xf32, #tpu.memory_space<vmem_shared>> -> memref<625x64xf32, #tpu.memory_space<vmem_shared>>
        tpu.enqueue_dma source(%arg5 : memref<625x64xf32, #tpu.memory_space<hbm>>) target(%dma_start3A_43 : memref<625x64xf32, #tpu.memory_space<vmem_shared>>) target_semaphore(%run_scoped3A : memref<!tpu.dma_semaphore, #tpu.memory_space<semaphore_mem>>)
        %dma_wait3A_44 = arith.constant 0 : i32
        %dma_wait3A_45 = tpu.memref_slice %arg13[%mul3A_41, %dma_wait3A_44] : memref<10000x64xf32, #tpu.memory_space<vmem_shared>> -> memref<625x64xf32, #tpu.memory_space<vmem_shared>>
        tpu.wait_dma2 semaphore(%run_scoped3A : memref<!tpu.dma_semaphore, #tpu.memory_space<semaphore_mem>>) src(%arg5 : memref<625x64xf32, #tpu.memory_space<hbm>>) dst(%dma_wait3A_45 : memref<625x64xf32, #tpu.memory_space<vmem_shared>>)
        tpu.yield
      }) : () -> ()
    } else {
    }
    %barrier3A = arith.constant 0 : index
    tpu.barrier barrier_id(%barrier3A)
    "tpu.region"() ({
      %run_scoped3A = tpu.sem_alloc : memref<!tpu.dma_semaphore, #tpu.memory_space<semaphore_mem>>
      %dma_start3A_40 = tpu.memref_slice %arg3[%mul3A_2] : memref<320000xi32, #tpu.memory_space<hbm>> -> memref<344xi32, #tpu.memory_space<hbm>>
      %dma_start3A_41 = tpu.memref_slice %arg3[%mul3A_2] : memref<320000xi32, #tpu.memory_space<hbm>> -> memref<344xi32, #tpu.memory_space<hbm>>
      tpu.enqueue_dma source(%dma_start3A_41 : memref<344xi32, #tpu.memory_space<hbm>>) target(%arg7 : memref<344xi32, #tpu.memory_space<vmem>>) target_semaphore(%run_scoped3A : memref<!tpu.dma_semaphore, #tpu.memory_space<semaphore_mem>>)
      %dma_wait3A_42 = tpu.memref_slice %arg3[%mul3A_2] : memref<320000xi32, #tpu.memory_space<hbm>> -> memref<344xi32, #tpu.memory_space<hbm>>
      %dma_wait3A_43 = tpu.memref_slice %arg3[%mul3A_2] : memref<320000xi32, #tpu.memory_space<hbm>> -> memref<344xi32, #tpu.memory_space<hbm>>
      tpu.wait_dma2 semaphore(%run_scoped3A : memref<!tpu.dma_semaphore, #tpu.memory_space<semaphore_mem>>) src(%dma_wait3A_43 : memref<344xi32, #tpu.memory_space<hbm>>) dst(%arg7 : memref<344xi32, #tpu.memory_space<vmem>>)
      tpu.yield
    }) : () -> ()
    "tpu.region"() ({
      %run_scoped3A = tpu.sem_alloc : memref<!tpu.dma_semaphore, #tpu.memory_space<semaphore_mem>>
      %dma_start3A_40 = tpu.memref_slice %arg4[%mul3A_2] : memref<320000xi32, #tpu.memory_space<hbm>> -> memref<344xi32, #tpu.memory_space<hbm>>
      %dma_start3A_41 = tpu.memref_slice %arg4[%mul3A_2] : memref<320000xi32, #tpu.memory_space<hbm>> -> memref<344xi32, #tpu.memory_space<hbm>>
      tpu.enqueue_dma source(%dma_start3A_41 : memref<344xi32, #tpu.memory_space<hbm>>) target(%arg8 : memref<344xi32, #tpu.memory_space<vmem>>) target_semaphore(%run_scoped3A : memref<!tpu.dma_semaphore, #tpu.memory_space<semaphore_mem>>)
      %dma_wait3A_42 = tpu.memref_slice %arg4[%mul3A_2] : memref<320000xi32, #tpu.memory_space<hbm>> -> memref<344xi32, #tpu.memory_space<hbm>>
      %dma_wait3A_43 = tpu.memref_slice %arg4[%mul3A_2] : memref<320000xi32, #tpu.memory_space<hbm>> -> memref<344xi32, #tpu.memory_space<hbm>>
      tpu.wait_dma2 semaphore(%run_scoped3A : memref<!tpu.dma_semaphore, #tpu.memory_space<semaphore_mem>>) src(%dma_wait3A_43 : memref<344xi32, #tpu.memory_space<hbm>>) dst(%arg8 : memref<344xi32, #tpu.memory_space<vmem>>)
      tpu.yield
    }) : () -> ()
    %dma_start3A = arith.constant 0 : i32
    %dma_start3A_5 = arith.constant 0 : i32
    %dma_start3A_6 = tpu.memref_slice %arg2[%dma_start3A, %dma_start3A_5] : memref<10000x64xf32, #tpu.memory_space<hbm>> -> memref<10000x64xf32, #tpu.memory_space<hbm>>
    tpu.enqueue_indirect_dma source(%dma_start3A_6 : memref<10000x64xf32, #tpu.memory_space<hbm>>) target(%arg11 : memref<344x64xf32, #tpu.memory_space<vmem>>) offsets(%arg7 : memref<344xi32, #tpu.memory_space<vmem>>) semaphore(%arg14 : memref<!tpu.dma_semaphore, #tpu.memory_space<semaphore_mem>>)
    %while3A = arith.constant 0 : i32
    %while3A_7 = arith.constant 0 : i32
    %while3A_8 = arith.constant 14 : i32
    %while3A_9 = arith.subi %while3A_8, %while3A_7 : i32
    %while3A_10 = arith.addi %while3A_7, %while3A_9 : i32
    %while3A_11 = arith.constant 1 : i32
    %while3A_12 = arith.divsi %while3A_9, %while3A_11 : i32
    %while3A_13 = arith.muli %while3A_12, %while3A_11 : i32
    %while3A_14 = arith.addi %while3A_7, %while3A_13 : i32
    %while3A_15 = arith.constant 1 : i32
    scf.for %while3A_40 = %while3A_7 to %while3A_14 step %while3A_15  : i32 {
      %mul3A_41 = arith.constant 2 : i32
      %mul3A_42 = arith.muli %mul3A_41, %while3A_40 : i32
      %add3A_43 = arith.constant 1 : i32
      %add3A_44 = arith.addi %mul3A_42, %add3A_43 : i32
      %mul3A_45 = arith.constant 344 : i32
      %mul3A_46 = arith.muli %add3A_44, %mul3A_45 : i32
      %add3A_47 = arith.addi %mul3A_2, %mul3A_46 : i32
      "tpu.region"() ({
        %run_scoped3A = tpu.sem_alloc : memref<!tpu.dma_semaphore, #tpu.memory_space<semaphore_mem>>
        %dma_start3A_62 = tpu.memref_slice %arg3[%add3A_47] : memref<320000xi32, #tpu.memory_space<hbm>> -> memref<344xi32, #tpu.memory_space<hbm>>
        %dma_start3A_63 = tpu.memref_slice %arg3[%add3A_47] : memref<320000xi32, #tpu.memory_space<hbm>> -> memref<344xi32, #tpu.memory_space<hbm>>
        tpu.enqueue_dma source(%dma_start3A_63 : memref<344xi32, #tpu.memory_space<hbm>>) target(%arg9 : memref<344xi32, #tpu.memory_space<vmem>>) target_semaphore(%run_scoped3A : memref<!tpu.dma_semaphore, #tpu.memory_space<semaphore_mem>>)
        %dma_wait3A_64 = tpu.memref_slice %arg3[%add3A_47] : memref<320000xi32, #tpu.memory_space<hbm>> -> memref<344xi32, #tpu.memory_space<hbm>>
        %dma_wait3A_65 = tpu.memref_slice %arg3[%add3A_47] : memref<320000xi32, #tpu.memory_space<hbm>> -> memref<344xi32, #tpu.memory_space<hbm>>
        tpu.wait_dma2 semaphore(%run_scoped3A : memref<!tpu.dma_semaphore, #tpu.memory_space<semaphore_mem>>) src(%dma_wait3A_65 : memref<344xi32, #tpu.memory_space<hbm>>) dst(%arg9 : memref<344xi32, #tpu.memory_space<vmem>>)
        tpu.yield
      }) : () -> ()
      "tpu.region"() ({
        %run_scoped3A = tpu.sem_alloc : memref<!tpu.dma_semaphore, #tpu.memory_space<semaphore_mem>>
        %dma_start3A_62 = tpu.memref_slice %arg4[%add3A_47] : memref<320000xi32, #tpu.memory_space<hbm>> -> memref<344xi32, #tpu.memory_space<hbm>>
        %dma_start3A_63 = tpu.memref_slice %arg4[%add3A_47] : memref<320000xi32, #tpu.memory_space<hbm>> -> memref<344xi32, #tpu.memory_space<hbm>>
        tpu.enqueue_dma source(%dma_start3A_63 : memref<344xi32, #tpu.memory_space<hbm>>) target(%arg10 : memref<344xi32, #tpu.memory_space<vmem>>) target_semaphore(%run_scoped3A : memref<!tpu.dma_semaphore, #tpu.memory_space<semaphore_mem>>)
        %dma_wait3A_64 = tpu.memref_slice %arg4[%add3A_47] : memref<320000xi32, #tpu.memory_space<hbm>> -> memref<344xi32, #tpu.memory_space<hbm>>
        %dma_wait3A_65 = tpu.memref_slice %arg4[%add3A_47] : memref<320000xi32, #tpu.memory_space<hbm>> -> memref<344xi32, #tpu.memory_space<hbm>>
        tpu.wait_dma2 semaphore(%run_scoped3A : memref<!tpu.dma_semaphore, #tpu.memory_space<semaphore_mem>>) src(%dma_wait3A_65 : memref<344xi32, #tpu.memory_space<hbm>>) dst(%arg10 : memref<344xi32, #tpu.memory_space<vmem>>)
        tpu.yield
      }) : () -> ()
      %dma_start3A_48 = arith.constant 0 : i32
      %dma_start3A_49 = arith.constant 0 : i32
      %dma_start3A_50 = tpu.memref_slice %arg2[%dma_start3A_48, %dma_start3A_49] : memref<10000x64xf32, #tpu.memory_space<hbm>> -> memref<10000x64xf32, #tpu.memory_space<hbm>>
      tpu.enqueue_indirect_dma source(%dma_start3A_50 : memref<10000x64xf32, #tpu.memory_space<hbm>>) target(%arg12 : memref<344x64xf32, #tpu.memory_space<vmem>>) offsets(%arg9 : memref<344xi32, #tpu.memory_space<vmem>>) semaphore(%arg15 : memref<!tpu.dma_semaphore, #tpu.memory_space<semaphore_mem>>)
      %dma_wait3A_51 = arith.constant 0 : i32
      %dma_wait3A_52 = arith.constant 0 : i32
      %dma_wait3A_53 = tpu.memref_slice %arg2[%dma_wait3A_51, %dma_wait3A_52] : memref<10000x64xf32, #tpu.memory_space<hbm>> -> memref<10000x64xf32, #tpu.memory_space<hbm>>
      tpu.wait_indirect_dma semaphore(%arg14 : memref<!tpu.dma_semaphore, #tpu.memory_space<semaphore_mem>>) src(%dma_wait3A_53 : memref<10000x64xf32, #tpu.memory_space<hbm>>) dst(%arg11 : memref<344x64xf32, #tpu.memory_space<vmem>>)
      "tpu.region"() ({
        %run_scoped3A = tpu.sem_alloc : memref<!tpu.dma_semaphore, #tpu.memory_space<semaphore_mem>>
        %dma_start3A_62 = arith.constant 0 : i32
        %dma_start3A_63 = arith.constant 0 : i32
        %dma_start3A_64 = tpu.memref_slice %arg13[%dma_start3A_62, %dma_start3A_63] : memref<10000x64xf32, #tpu.memory_space<vmem_shared>> -> memref<10000x64xf32, #tpu.memory_space<vmem_shared>>
        tpu.enqueue_indirect_dma source(%arg11 : memref<344x64xf32, #tpu.memory_space<vmem>>) target(%dma_start3A_64 : memref<10000x64xf32, #tpu.memory_space<vmem_shared>>) offsets(%arg8 : memref<344xi32, #tpu.memory_space<vmem>>) semaphore(%run_scoped3A : memref<!tpu.dma_semaphore, #tpu.memory_space<semaphore_mem>>) {add = true}
        %dma_wait3A_65 = arith.constant 0 : i32
        %dma_wait3A_66 = arith.constant 0 : i32
        %dma_wait3A_67 = tpu.memref_slice %arg13[%dma_wait3A_65, %dma_wait3A_66] : memref<10000x64xf32, #tpu.memory_space<vmem_shared>> -> memref<10000x64xf32, #tpu.memory_space<vmem_shared>>
        tpu.wait_indirect_dma semaphore(%run_scoped3A : memref<!tpu.dma_semaphore, #tpu.memory_space<semaphore_mem>>) src(%arg11 : memref<344x64xf32, #tpu.memory_space<vmem>>) dst(%dma_wait3A_67 : memref<10000x64xf32, #tpu.memory_space<vmem_shared>>)
        tpu.yield
      }) : () -> ()
      %lt3A_54 = arith.constant 13 : i32
      %lt3A_55 = arith.cmpi slt, %while3A_40, %lt3A_54 : i32
      %convert_element_type3A_56 = arith.extui %lt3A_55 : i1 to i32
      %cond3A_57 = arith.constant 0 : i32
      %cond3A_58 = arith.cmpi ne, %convert_element_type3A_56, %cond3A_57 : i32
      scf.if %cond3A_58 {
        %mul3A_62 = arith.constant 2 : i32
        %mul3A_63 = arith.muli %mul3A_62, %while3A_40 : i32
        %add3A_64 = arith.constant 2 : i32
        %add3A_65 = arith.addi %mul3A_63, %add3A_64 : i32
        %mul3A_66 = arith.constant 344 : i32
        %mul3A_67 = arith.muli %add3A_65, %mul3A_66 : i32
        %add3A_68 = arith.addi %mul3A_2, %mul3A_67 : i32
        "tpu.region"() ({
          %run_scoped3A = tpu.sem_alloc : memref<!tpu.dma_semaphore, #tpu.memory_space<semaphore_mem>>
          %dma_start3A_72 = tpu.memref_slice %arg3[%add3A_68] : memref<320000xi32, #tpu.memory_space<hbm>> -> memref<344xi32, #tpu.memory_space<hbm>>
          %dma_start3A_73 = tpu.memref_slice %arg3[%add3A_68] : memref<320000xi32, #tpu.memory_space<hbm>> -> memref<344xi32, #tpu.memory_space<hbm>>
          tpu.enqueue_dma source(%dma_start3A_73 : memref<344xi32, #tpu.memory_space<hbm>>) target(%arg7 : memref<344xi32, #tpu.memory_space<vmem>>) target_semaphore(%run_scoped3A : memref<!tpu.dma_semaphore, #tpu.memory_space<semaphore_mem>>)
          %dma_wait3A_74 = tpu.memref_slice %arg3[%add3A_68] : memref<320000xi32, #tpu.memory_space<hbm>> -> memref<344xi32, #tpu.memory_space<hbm>>
          %dma_wait3A_75 = tpu.memref_slice %arg3[%add3A_68] : memref<320000xi32, #tpu.memory_space<hbm>> -> memref<344xi32, #tpu.memory_space<hbm>>
          tpu.wait_dma2 semaphore(%run_scoped3A : memref<!tpu.dma_semaphore, #tpu.memory_space<semaphore_mem>>) src(%dma_wait3A_75 : memref<344xi32, #tpu.memory_space<hbm>>) dst(%arg7 : memref<344xi32, #tpu.memory_space<vmem>>)
          tpu.yield
        }) : () -> ()
        "tpu.region"() ({
          %run_scoped3A = tpu.sem_alloc : memref<!tpu.dma_semaphore, #tpu.memory_space<semaphore_mem>>
          %dma_start3A_72 = tpu.memref_slice %arg4[%add3A_68] : memref<320000xi32, #tpu.memory_space<hbm>> -> memref<344xi32, #tpu.memory_space<hbm>>
          %dma_start3A_73 = tpu.memref_slice %arg4[%add3A_68] : memref<320000xi32, #tpu.memory_space<hbm>> -> memref<344xi32, #tpu.memory_space<hbm>>
          tpu.enqueue_dma source(%dma_start3A_73 : memref<344xi32, #tpu.memory_space<hbm>>) target(%arg8 : memref<344xi32, #tpu.memory_space<vmem>>) target_semaphore(%run_scoped3A : memref<!tpu.dma_semaphore, #tpu.memory_space<semaphore_mem>>)
          %dma_wait3A_74 = tpu.memref_slice %arg4[%add3A_68] : memref<320000xi32, #tpu.memory_space<hbm>> -> memref<344xi32, #tpu.memory_space<hbm>>
          %dma_wait3A_75 = tpu.memref_slice %arg4[%add3A_68] : memref<320000xi32, #tpu.memory_space<hbm>> -> memref<344xi32, #tpu.memory_space<hbm>>
          tpu.wait_dma2 semaphore(%run_scoped3A : memref<!tpu.dma_semaphore, #tpu.memory_space<semaphore_mem>>) src(%dma_wait3A_75 : memref<344xi32, #tpu.memory_space<hbm>>) dst(%arg8 : memref<344xi32, #tpu.memory_space<vmem>>)
          tpu.yield
        }) : () -> ()
        %dma_start3A_69 = arith.constant 0 : i32
        %dma_start3A_70 = arith.constant 0 : i32
        %dma_start3A_71 = tpu.memref_slice %arg2[%dma_start3A_69, %dma_start3A_70] : memref<10000x64xf32, #tpu.memory_space<hbm>> -> memref<10000x64xf32, #tpu.memory_space<hbm>>
        tpu.enqueue_indirect_dma source(%dma_start3A_71 : memref<10000x64xf32, #tpu.memory_space<hbm>>) target(%arg11 : memref<344x64xf32, #tpu.memory_space<vmem>>) offsets(%arg7 : memref<344xi32, #tpu.memory_space<vmem>>) semaphore(%arg14 : memref<!tpu.dma_semaphore, #tpu.memory_space<semaphore_mem>>)
      } else {
      }
      %dma_wait3A_59 = arith.constant 0 : i32
      %dma_wait3A_60 = arith.constant 0 : i32
      %dma_wait3A_61 = tpu.memref_slice %arg2[%dma_wait3A_59, %dma_wait3A_60] : memref<10000x64xf32, #tpu.memory_space<hbm>> -> memref<10000x64xf32, #tpu.memory_space<hbm>>
      tpu.wait_indirect_dma semaphore(%arg15 : memref<!tpu.dma_semaphore, #tpu.memory_space<semaphore_mem>>) src(%dma_wait3A_61 : memref<10000x64xf32, #tpu.memory_space<hbm>>) dst(%arg12 : memref<344x64xf32, #tpu.memory_space<vmem>>)
      "tpu.region"() ({
        %run_scoped3A = tpu.sem_alloc : memref<!tpu.dma_semaphore, #tpu.memory_space<semaphore_mem>>
        %dma_start3A_62 = arith.constant 0 : i32
        %dma_start3A_63 = arith.constant 0 : i32
        %dma_start3A_64 = tpu.memref_slice %arg13[%dma_start3A_62, %dma_start3A_63] : memref<10000x64xf32, #tpu.memory_space<vmem_shared>> -> memref<10000x64xf32, #tpu.memory_space<vmem_shared>>
        tpu.enqueue_indirect_dma source(%arg12 : memref<344x64xf32, #tpu.memory_space<vmem>>) target(%dma_start3A_64 : memref<10000x64xf32, #tpu.memory_space<vmem_shared>>) offsets(%arg10 : memref<344xi32, #tpu.memory_space<vmem>>) semaphore(%run_scoped3A : memref<!tpu.dma_semaphore, #tpu.memory_space<semaphore_mem>>) {add = true}
        %dma_wait3A_65 = arith.constant 0 : i32
        %dma_wait3A_66 = arith.constant 0 : i32
        %dma_wait3A_67 = tpu.memref_slice %arg13[%dma_wait3A_65, %dma_wait3A_66] : memref<10000x64xf32, #tpu.memory_space<vmem_shared>> -> memref<10000x64xf32, #tpu.memory_space<vmem_shared>>
        tpu.wait_indirect_dma semaphore(%run_scoped3A : memref<!tpu.dma_semaphore, #tpu.memory_space<semaphore_mem>>) src(%arg12 : memref<344x64xf32, #tpu.memory_space<vmem>>) dst(%dma_wait3A_67 : memref<10000x64xf32, #tpu.memory_space<vmem_shared>>)
        tpu.yield
      }) : () -> ()
    }
    %while3A_16 = arith.constant 1 : i32
    scf.for %while3A_40 = %while3A_14 to %while3A_10 step %while3A_16  : i32 {
      %mul3A_41 = arith.constant 2 : i32
      %mul3A_42 = arith.muli %mul3A_41, %while3A_40 : i32
      %add3A_43 = arith.constant 1 : i32
      %add3A_44 = arith.addi %mul3A_42, %add3A_43 : i32
      %mul3A_45 = arith.constant 344 : i32
      %mul3A_46 = arith.muli %add3A_44, %mul3A_45 : i32
      %add3A_47 = arith.addi %mul3A_2, %mul3A_46 : i32
      "tpu.region"() ({
        %run_scoped3A = tpu.sem_alloc : memref<!tpu.dma_semaphore, #tpu.memory_space<semaphore_mem>>
        %dma_start3A_62 = tpu.memref_slice %arg3[%add3A_47] : memref<320000xi32, #tpu.memory_space<hbm>> -> memref<344xi32, #tpu.memory_space<hbm>>
        %dma_start3A_63 = tpu.memref_slice %arg3[%add3A_47] : memref<320000xi32, #tpu.memory_space<hbm>> -> memref<344xi32, #tpu.memory_space<hbm>>
        tpu.enqueue_dma source(%dma_start3A_63 : memref<344xi32, #tpu.memory_space<hbm>>) target(%arg9 : memref<344xi32, #tpu.memory_space<vmem>>) target_semaphore(%run_scoped3A : memref<!tpu.dma_semaphore, #tpu.memory_space<semaphore_mem>>)
        %dma_wait3A_64 = tpu.memref_slice %arg3[%add3A_47] : memref<320000xi32, #tpu.memory_space<hbm>> -> memref<344xi32, #tpu.memory_space<hbm>>
        %dma_wait3A_65 = tpu.memref_slice %arg3[%add3A_47] : memref<320000xi32, #tpu.memory_space<hbm>> -> memref<344xi32, #tpu.memory_space<hbm>>
        tpu.wait_dma2 semaphore(%run_scoped3A : memref<!tpu.dma_semaphore, #tpu.memory_space<semaphore_mem>>) src(%dma_wait3A_65 : memref<344xi32, #tpu.memory_space<hbm>>) dst(%arg9 : memref<344xi32, #tpu.memory_space<vmem>>)
        tpu.yield
      }) : () -> ()
      "tpu.region"() ({
        %run_scoped3A = tpu.sem_alloc : memref<!tpu.dma_semaphore, #tpu.memory_space<semaphore_mem>>
        %dma_start3A_62 = tpu.memref_slice %arg4[%add3A_47] : memref<320000xi32, #tpu.memory_space<hbm>> -> memref<344xi32, #tpu.memory_space<hbm>>
        %dma_start3A_63 = tpu.memref_slice %arg4[%add3A_47] : memref<320000xi32, #tpu.memory_space<hbm>> -> memref<344xi32, #tpu.memory_space<hbm>>
        tpu.enqueue_dma source(%dma_start3A_63 : memref<344xi32, #tpu.memory_space<hbm>>) target(%arg10 : memref<344xi32, #tpu.memory_space<vmem>>) target_semaphore(%run_scoped3A : memref<!tpu.dma_semaphore, #tpu.memory_space<semaphore_mem>>)
        %dma_wait3A_64 = tpu.memref_slice %arg4[%add3A_47] : memref<320000xi32, #tpu.memory_space<hbm>> -> memref<344xi32, #tpu.memory_space<hbm>>
        %dma_wait3A_65 = tpu.memref_slice %arg4[%add3A_47] : memref<320000xi32, #tpu.memory_space<hbm>> -> memref<344xi32, #tpu.memory_space<hbm>>
        tpu.wait_dma2 semaphore(%run_scoped3A : memref<!tpu.dma_semaphore, #tpu.memory_space<semaphore_mem>>) src(%dma_wait3A_65 : memref<344xi32, #tpu.memory_space<hbm>>) dst(%arg10 : memref<344xi32, #tpu.memory_space<vmem>>)
        tpu.yield
      }) : () -> ()
      %dma_start3A_48 = arith.constant 0 : i32
      %dma_start3A_49 = arith.constant 0 : i32
      %dma_start3A_50 = tpu.memref_slice %arg2[%dma_start3A_48, %dma_start3A_49] : memref<10000x64xf32, #tpu.memory_space<hbm>> -> memref<10000x64xf32, #tpu.memory_space<hbm>>
      tpu.enqueue_indirect_dma source(%dma_start3A_50 : memref<10000x64xf32, #tpu.memory_space<hbm>>) target(%arg12 : memref<344x64xf32, #tpu.memory_space<vmem>>) offsets(%arg9 : memref<344xi32, #tpu.memory_space<vmem>>) semaphore(%arg15 : memref<!tpu.dma_semaphore, #tpu.memory_space<semaphore_mem>>)
      %dma_wait3A_51 = arith.constant 0 : i32
      %dma_wait3A_52 = arith.constant 0 : i32
      %dma_wait3A_53 = tpu.memref_slice %arg2[%dma_wait3A_51, %dma_wait3A_52] : memref<10000x64xf32, #tpu.memory_space<hbm>> -> memref<10000x64xf32, #tpu.memory_space<hbm>>
      tpu.wait_indirect_dma semaphore(%arg14 : memref<!tpu.dma_semaphore, #tpu.memory_space<semaphore_mem>>) src(%dma_wait3A_53 : memref<10000x64xf32, #tpu.memory_space<hbm>>) dst(%arg11 : memref<344x64xf32, #tpu.memory_space<vmem>>)
      "tpu.region"() ({
        %run_scoped3A = tpu.sem_alloc : memref<!tpu.dma_semaphore, #tpu.memory_space<semaphore_mem>>
        %dma_start3A_62 = arith.constant 0 : i32
        %dma_start3A_63 = arith.constant 0 : i32
        %dma_start3A_64 = tpu.memref_slice %arg13[%dma_start3A_62, %dma_start3A_63] : memref<10000x64xf32, #tpu.memory_space<vmem_shared>> -> memref<10000x64xf32, #tpu.memory_space<vmem_shared>>
        tpu.enqueue_indirect_dma source(%arg11 : memref<344x64xf32, #tpu.memory_space<vmem>>) target(%dma_start3A_64 : memref<10000x64xf32, #tpu.memory_space<vmem_shared>>) offsets(%arg8 : memref<344xi32, #tpu.memory_space<vmem>>) semaphore(%run_scoped3A : memref<!tpu.dma_semaphore, #tpu.memory_space<semaphore_mem>>) {add = true}
        %dma_wait3A_65 = arith.constant 0 : i32
        %dma_wait3A_66 = arith.constant 0 : i32
        %dma_wait3A_67 = tpu.memref_slice %arg13[%dma_wait3A_65, %dma_wait3A_66] : memref<10000x64xf32, #tpu.memory_space<vmem_shared>> -> memref<10000x64xf32, #tpu.memory_space<vmem_shared>>
        tpu.wait_indirect_dma semaphore(%run_scoped3A : memref<!tpu.dma_semaphore, #tpu.memory_space<semaphore_mem>>) src(%arg11 : memref<344x64xf32, #tpu.memory_space<vmem>>) dst(%dma_wait3A_67 : memref<10000x64xf32, #tpu.memory_space<vmem_shared>>)
        tpu.yield
      }) : () -> ()
      %lt3A_54 = arith.constant 13 : i32
      %lt3A_55 = arith.cmpi slt, %while3A_40, %lt3A_54 : i32
      %convert_element_type3A_56 = arith.extui %lt3A_55 : i1 to i32
      %cond3A_57 = arith.constant 0 : i32
      %cond3A_58 = arith.cmpi ne, %convert_element_type3A_56, %cond3A_57 : i32
      scf.if %cond3A_58 {
        %mul3A_62 = arith.constant 2 : i32
        %mul3A_63 = arith.muli %mul3A_62, %while3A_40 : i32
        %add3A_64 = arith.constant 2 : i32
        %add3A_65 = arith.addi %mul3A_63, %add3A_64 : i32
        %mul3A_66 = arith.constant 344 : i32
        %mul3A_67 = arith.muli %add3A_65, %mul3A_66 : i32
        %add3A_68 = arith.addi %mul3A_2, %mul3A_67 : i32
        "tpu.region"() ({
          %run_scoped3A = tpu.sem_alloc : memref<!tpu.dma_semaphore, #tpu.memory_space<semaphore_mem>>
          %dma_start3A_72 = tpu.memref_slice %arg3[%add3A_68] : memref<320000xi32, #tpu.memory_space<hbm>> -> memref<344xi32, #tpu.memory_space<hbm>>
          %dma_start3A_73 = tpu.memref_slice %arg3[%add3A_68] : memref<320000xi32, #tpu.memory_space<hbm>> -> memref<344xi32, #tpu.memory_space<hbm>>
          tpu.enqueue_dma source(%dma_start3A_73 : memref<344xi32, #tpu.memory_space<hbm>>) target(%arg7 : memref<344xi32, #tpu.memory_space<vmem>>) target_semaphore(%run_scoped3A : memref<!tpu.dma_semaphore, #tpu.memory_space<semaphore_mem>>)
          %dma_wait3A_74 = tpu.memref_slice %arg3[%add3A_68] : memref<320000xi32, #tpu.memory_space<hbm>> -> memref<344xi32, #tpu.memory_space<hbm>>
          %dma_wait3A_75 = tpu.memref_slice %arg3[%add3A_68] : memref<320000xi32, #tpu.memory_space<hbm>> -> memref<344xi32, #tpu.memory_space<hbm>>
          tpu.wait_dma2 semaphore(%run_scoped3A : memref<!tpu.dma_semaphore, #tpu.memory_space<semaphore_mem>>) src(%dma_wait3A_75 : memref<344xi32, #tpu.memory_space<hbm>>) dst(%arg7 : memref<344xi32, #tpu.memory_space<vmem>>)
          tpu.yield
        }) : () -> ()
        "tpu.region"() ({
          %run_scoped3A = tpu.sem_alloc : memref<!tpu.dma_semaphore, #tpu.memory_space<semaphore_mem>>
          %dma_start3A_72 = tpu.memref_slice %arg4[%add3A_68] : memref<320000xi32, #tpu.memory_space<hbm>> -> memref<344xi32, #tpu.memory_space<hbm>>
          %dma_start3A_73 = tpu.memref_slice %arg4[%add3A_68] : memref<320000xi32, #tpu.memory_space<hbm>> -> memref<344xi32, #tpu.memory_space<hbm>>
          tpu.enqueue_dma source(%dma_start3A_73 : memref<344xi32, #tpu.memory_space<hbm>>) target(%arg8 : memref<344xi32, #tpu.memory_space<vmem>>) target_semaphore(%run_scoped3A : memref<!tpu.dma_semaphore, #tpu.memory_space<semaphore_mem>>)
          %dma_wait3A_74 = tpu.memref_slice %arg4[%add3A_68] : memref<320000xi32, #tpu.memory_space<hbm>> -> memref<344xi32, #tpu.memory_space<hbm>>
          %dma_wait3A_75 = tpu.memref_slice %arg4[%add3A_68] : memref<320000xi32, #tpu.memory_space<hbm>> -> memref<344xi32, #tpu.memory_space<hbm>>
          tpu.wait_dma2 semaphore(%run_scoped3A : memref<!tpu.dma_semaphore, #tpu.memory_space<semaphore_mem>>) src(%dma_wait3A_75 : memref<344xi32, #tpu.memory_space<hbm>>) dst(%arg8 : memref<344xi32, #tpu.memory_space<vmem>>)
          tpu.yield
        }) : () -> ()
        %dma_start3A_69 = arith.constant 0 : i32
        %dma_start3A_70 = arith.constant 0 : i32
        %dma_start3A_71 = tpu.memref_slice %arg2[%dma_start3A_69, %dma_start3A_70] : memref<10000x64xf32, #tpu.memory_space<hbm>> -> memref<10000x64xf32, #tpu.memory_space<hbm>>
        tpu.enqueue_indirect_dma source(%dma_start3A_71 : memref<10000x64xf32, #tpu.memory_space<hbm>>) target(%arg11 : memref<344x64xf32, #tpu.memory_space<vmem>>) offsets(%arg7 : memref<344xi32, #tpu.memory_space<vmem>>) semaphore(%arg14 : memref<!tpu.dma_semaphore, #tpu.memory_space<semaphore_mem>>)
      } else {
      }
      %dma_wait3A_59 = arith.constant 0 : i32
      %dma_wait3A_60 = arith.constant 0 : i32
      %dma_wait3A_61 = tpu.memref_slice %arg2[%dma_wait3A_59, %dma_wait3A_60] : memref<10000x64xf32, #tpu.memory_space<hbm>> -> memref<10000x64xf32, #tpu.memory_space<hbm>>
      tpu.wait_indirect_dma semaphore(%arg15 : memref<!tpu.dma_semaphore, #tpu.memory_space<semaphore_mem>>) src(%dma_wait3A_61 : memref<10000x64xf32, #tpu.memory_space<hbm>>) dst(%arg12 : memref<344x64xf32, #tpu.memory_space<vmem>>)
      "tpu.region"() ({
        %run_scoped3A = tpu.sem_alloc : memref<!tpu.dma_semaphore, #tpu.memory_space<semaphore_mem>>
        %dma_start3A_62 = arith.constant 0 : i32
        %dma_start3A_63 = arith.constant 0 : i32
        %dma_start3A_64 = tpu.memref_slice %arg13[%dma_start3A_62, %dma_start3A_63] : memref<10000x64xf32, #tpu.memory_space<vmem_shared>> -> memref<10000x64xf32, #tpu.memory_space<vmem_shared>>
        tpu.enqueue_indirect_dma source(%arg12 : memref<344x64xf32, #tpu.memory_space<vmem>>) target(%dma_start3A_64 : memref<10000x64xf32, #tpu.memory_space<vmem_shared>>) offsets(%arg10 : memref<344xi32, #tpu.memory_space<vmem>>) semaphore(%run_scoped3A : memref<!tpu.dma_semaphore, #tpu.memory_space<semaphore_mem>>) {add = true}
        %dma_wait3A_65 = arith.constant 0 : i32
        %dma_wait3A_66 = arith.constant 0 : i32
        %dma_wait3A_67 = tpu.memref_slice %arg13[%dma_wait3A_65, %dma_wait3A_66] : memref<10000x64xf32, #tpu.memory_space<vmem_shared>> -> memref<10000x64xf32, #tpu.memory_space<vmem_shared>>
        tpu.wait_indirect_dma semaphore(%run_scoped3A : memref<!tpu.dma_semaphore, #tpu.memory_space<semaphore_mem>>) src(%arg12 : memref<344x64xf32, #tpu.memory_space<vmem>>) dst(%dma_wait3A_67 : memref<10000x64xf32, #tpu.memory_space<vmem_shared>>)
        tpu.yield
      }) : () -> ()
    }
    %add3A_17 = arith.constant 9632 : i32
    %add3A_18 = arith.addi %mul3A_2, %add3A_17 : i32
    "tpu.region"() ({
      %run_scoped3A = tpu.sem_alloc : memref<!tpu.dma_semaphore, #tpu.memory_space<semaphore_mem>>
      %dma_start3A_40 = tpu.memref_slice %arg3[%add3A_18] : memref<320000xi32, #tpu.memory_space<hbm>> -> memref<344xi32, #tpu.memory_space<hbm>>
      %dma_start3A_41 = tpu.memref_slice %arg3[%add3A_18] : memref<320000xi32, #tpu.memory_space<hbm>> -> memref<344xi32, #tpu.memory_space<hbm>>
      tpu.enqueue_dma source(%dma_start3A_41 : memref<344xi32, #tpu.memory_space<hbm>>) target(%arg7 : memref<344xi32, #tpu.memory_space<vmem>>) target_semaphore(%run_scoped3A : memref<!tpu.dma_semaphore, #tpu.memory_space<semaphore_mem>>)
      %dma_wait3A_42 = tpu.memref_slice %arg3[%add3A_18] : memref<320000xi32, #tpu.memory_space<hbm>> -> memref<344xi32, #tpu.memory_space<hbm>>
      %dma_wait3A_43 = tpu.memref_slice %arg3[%add3A_18] : memref<320000xi32, #tpu.memory_space<hbm>> -> memref<344xi32, #tpu.memory_space<hbm>>
      tpu.wait_dma2 semaphore(%run_scoped3A : memref<!tpu.dma_semaphore, #tpu.memory_space<semaphore_mem>>) src(%dma_wait3A_43 : memref<344xi32, #tpu.memory_space<hbm>>) dst(%arg7 : memref<344xi32, #tpu.memory_space<vmem>>)
      tpu.yield
    }) : () -> ()
    "tpu.region"() ({
      %run_scoped3A = tpu.sem_alloc : memref<!tpu.dma_semaphore, #tpu.memory_space<semaphore_mem>>
      %dma_start3A_40 = tpu.memref_slice %arg4[%add3A_18] : memref<320000xi32, #tpu.memory_space<hbm>> -> memref<344xi32, #tpu.memory_space<hbm>>
      %dma_start3A_41 = tpu.memref_slice %arg4[%add3A_18] : memref<320000xi32, #tpu.memory_space<hbm>> -> memref<344xi32, #tpu.memory_space<hbm>>
      tpu.enqueue_dma source(%dma_start3A_41 : memref<344xi32, #tpu.memory_space<hbm>>) target(%arg8 : memref<344xi32, #tpu.memory_space<vmem>>) target_semaphore(%run_scoped3A : memref<!tpu.dma_semaphore, #tpu.memory_space<semaphore_mem>>)
      %dma_wait3A_42 = tpu.memref_slice %arg4[%add3A_18] : memref<320000xi32, #tpu.memory_space<hbm>> -> memref<344xi32, #tpu.memory_space<hbm>>
      %dma_wait3A_43 = tpu.memref_slice %arg4[%add3A_18] : memref<320000xi32, #tpu.memory_space<hbm>> -> memref<344xi32, #tpu.memory_space<hbm>>
      tpu.wait_dma2 semaphore(%run_scoped3A : memref<!tpu.dma_semaphore, #tpu.memory_space<semaphore_mem>>) src(%dma_wait3A_43 : memref<344xi32, #tpu.memory_space<hbm>>) dst(%arg8 : memref<344xi32, #tpu.memory_space<vmem>>)
      tpu.yield
    }) : () -> ()
    %dma_start3A_19 = arith.constant 0 : i32
    %dma_start3A_20 = arith.constant 0 : i32
    %dma_start3A_21 = tpu.memref_slice %arg2[%dma_start3A_19, %dma_start3A_20] : memref<10000x64xf32, #tpu.memory_space<hbm>> -> memref<10000x64xf32, #tpu.memory_space<hbm>>
    tpu.enqueue_indirect_dma source(%dma_start3A_21 : memref<10000x64xf32, #tpu.memory_space<hbm>>) target(%arg11 : memref<344x64xf32, #tpu.memory_space<vmem>>) offsets(%arg7 : memref<344xi32, #tpu.memory_space<vmem>>) semaphore(%arg14 : memref<!tpu.dma_semaphore, #tpu.memory_space<semaphore_mem>>)
    %dma_wait3A = arith.constant 0 : i32
    %dma_wait3A_22 = arith.constant 0 : i32
    %dma_wait3A_23 = tpu.memref_slice %arg2[%dma_wait3A, %dma_wait3A_22] : memref<10000x64xf32, #tpu.memory_space<hbm>> -> memref<10000x64xf32, #tpu.memory_space<hbm>>
    tpu.wait_indirect_dma semaphore(%arg14 : memref<!tpu.dma_semaphore, #tpu.memory_space<semaphore_mem>>) src(%dma_wait3A_23 : memref<10000x64xf32, #tpu.memory_space<hbm>>) dst(%arg11 : memref<344x64xf32, #tpu.memory_space<vmem>>)
    "tpu.region"() ({
      %run_scoped3A = tpu.sem_alloc : memref<!tpu.dma_semaphore, #tpu.memory_space<semaphore_mem>>
      %dma_start3A_40 = arith.constant 0 : i32
      %dma_start3A_41 = arith.constant 0 : i32
      %dma_start3A_42 = tpu.memref_slice %arg13[%dma_start3A_40, %dma_start3A_41] : memref<10000x64xf32, #tpu.memory_space<vmem_shared>> -> memref<10000x64xf32, #tpu.memory_space<vmem_shared>>
      tpu.enqueue_indirect_dma source(%arg11 : memref<344x64xf32, #tpu.memory_space<vmem>>) target(%dma_start3A_42 : memref<10000x64xf32, #tpu.memory_space<vmem_shared>>) offsets(%arg8 : memref<344xi32, #tpu.memory_space<vmem>>) semaphore(%run_scoped3A : memref<!tpu.dma_semaphore, #tpu.memory_space<semaphore_mem>>) {add = true}
      %dma_wait3A_43 = arith.constant 0 : i32
      %dma_wait3A_44 = arith.constant 0 : i32
      %dma_wait3A_45 = tpu.memref_slice %arg13[%dma_wait3A_43, %dma_wait3A_44] : memref<10000x64xf32, #tpu.memory_space<vmem_shared>> -> memref<10000x64xf32, #tpu.memory_space<vmem_shared>>
      tpu.wait_indirect_dma semaphore(%run_scoped3A : memref<!tpu.dma_semaphore, #tpu.memory_space<semaphore_mem>>) src(%arg11 : memref<344x64xf32, #tpu.memory_space<vmem>>) dst(%dma_wait3A_45 : memref<10000x64xf32, #tpu.memory_space<vmem_shared>>)
      tpu.yield
    }) : () -> ()
    %add3A_24 = arith.constant 9656 : i32
    %add3A_25 = arith.addi %mul3A_2, %add3A_24 : i32
    "tpu.region"() ({
      %run_scoped3A = tpu.sem_alloc : memref<!tpu.dma_semaphore, #tpu.memory_space<semaphore_mem>>
      %dma_start3A_40 = tpu.memref_slice %arg3[%add3A_25] : memref<320000xi32, #tpu.memory_space<hbm>> -> memref<344xi32, #tpu.memory_space<hbm>>
      %dma_start3A_41 = tpu.memref_slice %arg3[%add3A_25] : memref<320000xi32, #tpu.memory_space<hbm>> -> memref<344xi32, #tpu.memory_space<hbm>>
      tpu.enqueue_dma source(%dma_start3A_41 : memref<344xi32, #tpu.memory_space<hbm>>) target(%arg7 : memref<344xi32, #tpu.memory_space<vmem>>) target_semaphore(%run_scoped3A : memref<!tpu.dma_semaphore, #tpu.memory_space<semaphore_mem>>)
      %dma_wait3A_42 = tpu.memref_slice %arg3[%add3A_25] : memref<320000xi32, #tpu.memory_space<hbm>> -> memref<344xi32, #tpu.memory_space<hbm>>
      %dma_wait3A_43 = tpu.memref_slice %arg3[%add3A_25] : memref<320000xi32, #tpu.memory_space<hbm>> -> memref<344xi32, #tpu.memory_space<hbm>>
      tpu.wait_dma2 semaphore(%run_scoped3A : memref<!tpu.dma_semaphore, #tpu.memory_space<semaphore_mem>>) src(%dma_wait3A_43 : memref<344xi32, #tpu.memory_space<hbm>>) dst(%arg7 : memref<344xi32, #tpu.memory_space<vmem>>)
      tpu.yield
    }) : () -> ()
    %add3A_26 = arith.constant 320 : i32
    %add3A_27 = arith.addi %add3A_25, %add3A_26 : i32
    "tpu.region"() ({
      %run_scoped3A = tpu.sem_alloc : memref<!tpu.dma_semaphore, #tpu.memory_space<semaphore_mem>>
      %dma_start3A_40 = tpu.memref_slice %arg4[%add3A_27] : memref<320000xi32, #tpu.memory_space<hbm>> -> memref<24xi32, #tpu.memory_space<hbm>>
      %dma_start3A_41 = tpu.memref_slice %arg4[%add3A_27] : memref<320000xi32, #tpu.memory_space<hbm>> -> memref<24xi32, #tpu.memory_space<hbm>>
      tpu.enqueue_dma source(%dma_start3A_41 : memref<24xi32, #tpu.memory_space<hbm>>) target(%arg16 : memref<24xi32, #tpu.memory_space<vmem>>) target_semaphore(%run_scoped3A : memref<!tpu.dma_semaphore, #tpu.memory_space<semaphore_mem>>)
      %dma_wait3A_42 = tpu.memref_slice %arg4[%add3A_27] : memref<320000xi32, #tpu.memory_space<hbm>> -> memref<24xi32, #tpu.memory_space<hbm>>
      %dma_wait3A_43 = tpu.memref_slice %arg4[%add3A_27] : memref<320000xi32, #tpu.memory_space<hbm>> -> memref<24xi32, #tpu.memory_space<hbm>>
      tpu.wait_dma2 semaphore(%run_scoped3A : memref<!tpu.dma_semaphore, #tpu.memory_space<semaphore_mem>>) src(%dma_wait3A_43 : memref<24xi32, #tpu.memory_space<hbm>>) dst(%arg16 : memref<24xi32, #tpu.memory_space<vmem>>)
      tpu.yield
    }) : () -> ()
    %dma_start3A_28 = arith.constant 0 : i32
    %dma_start3A_29 = arith.constant 0 : i32
    %dma_start3A_30 = tpu.memref_slice %arg2[%dma_start3A_28, %dma_start3A_29] : memref<10000x64xf32, #tpu.memory_space<hbm>> -> memref<10000x64xf32, #tpu.memory_space<hbm>>
    tpu.enqueue_indirect_dma source(%dma_start3A_30 : memref<10000x64xf32, #tpu.memory_space<hbm>>) target(%arg11 : memref<344x64xf32, #tpu.memory_space<vmem>>) offsets(%arg7 : memref<344xi32, #tpu.memory_space<vmem>>) semaphore(%arg14 : memref<!tpu.dma_semaphore, #tpu.memory_space<semaphore_mem>>)
    %dma_wait3A_31 = arith.constant 0 : i32
    %dma_wait3A_32 = arith.constant 0 : i32
    %dma_wait3A_33 = tpu.memref_slice %arg2[%dma_wait3A_31, %dma_wait3A_32] : memref<10000x64xf32, #tpu.memory_space<hbm>> -> memref<10000x64xf32, #tpu.memory_space<hbm>>
    tpu.wait_indirect_dma semaphore(%arg14 : memref<!tpu.dma_semaphore, #tpu.memory_space<semaphore_mem>>) src(%dma_wait3A_33 : memref<10000x64xf32, #tpu.memory_space<hbm>>) dst(%arg11 : memref<344x64xf32, #tpu.memory_space<vmem>>)
    "tpu.region"() ({
      %run_scoped3A = tpu.sem_alloc : memref<!tpu.dma_semaphore, #tpu.memory_space<semaphore_mem>>
      %dma_start3A_40 = arith.constant 320 : i32
      %dma_start3A_41 = arith.constant 0 : i32
      %dma_start3A_42 = tpu.memref_slice %arg11[%dma_start3A_40, %dma_start3A_41] : memref<344x64xf32, #tpu.memory_space<vmem>> -> memref<24x64xf32, #tpu.memory_space<vmem>>
      %dma_start3A_43 = arith.constant 0 : i32
      %dma_start3A_44 = arith.constant 0 : i32
      %dma_start3A_45 = tpu.memref_slice %arg13[%dma_start3A_43, %dma_start3A_44] : memref<10000x64xf32, #tpu.memory_space<vmem_shared>> -> memref<10000x64xf32, #tpu.memory_space<vmem_shared>>
      tpu.enqueue_indirect_dma source(%dma_start3A_42 : memref<24x64xf32, #tpu.memory_space<vmem>>) target(%dma_start3A_45 : memref<10000x64xf32, #tpu.memory_space<vmem_shared>>) offsets(%arg16 : memref<24xi32, #tpu.memory_space<vmem>>) semaphore(%run_scoped3A : memref<!tpu.dma_semaphore, #tpu.memory_space<semaphore_mem>>) {add = true}
      %dma_wait3A_46 = arith.constant 320 : i32
      %dma_wait3A_47 = arith.constant 0 : i32
      %dma_wait3A_48 = tpu.memref_slice %arg11[%dma_wait3A_46, %dma_wait3A_47] : memref<344x64xf32, #tpu.memory_space<vmem>> -> memref<24x64xf32, #tpu.memory_space<vmem>>
      %dma_wait3A_49 = arith.constant 0 : i32
      %dma_wait3A_50 = arith.constant 0 : i32
      %dma_wait3A_51 = tpu.memref_slice %arg13[%dma_wait3A_49, %dma_wait3A_50] : memref<10000x64xf32, #tpu.memory_space<vmem_shared>> -> memref<10000x64xf32, #tpu.memory_space<vmem_shared>>
      tpu.wait_indirect_dma semaphore(%run_scoped3A : memref<!tpu.dma_semaphore, #tpu.memory_space<semaphore_mem>>) src(%dma_wait3A_48 : memref<24x64xf32, #tpu.memory_space<vmem>>) dst(%dma_wait3A_51 : memref<10000x64xf32, #tpu.memory_space<vmem_shared>>)
      tpu.yield
    }) : () -> ()
    %barrier3A_34 = arith.constant 0 : index
    tpu.barrier barrier_id(%barrier3A_34)
    %lt3A_35 = arith.constant 16 : i32
    %lt3A_36 = arith.cmpi slt, %arg1, %lt3A_35 : i32
    %convert_element_type3A_37 = arith.extui %lt3A_36 : i1 to i32
    %cond3A_38 = arith.constant 0 : i32
    %cond3A_39 = arith.cmpi ne, %convert_element_type3A_37, %cond3A_38 : i32
    scf.if %cond3A_39 {
      %mul3A_40 = arith.constant 625 : i32
      %mul3A_41 = arith.muli %arg1, %mul3A_40 : i32
      %mul3A_42 = arith.constant 10000 : i32
      %mul3A_43 = arith.muli %arg0, %mul3A_42 : i32
      %add3A_44 = arith.addi %mul3A_43, %mul3A_41 : i32
      "tpu.region"() ({
        %run_scoped3A = tpu.sem_alloc : memref<!tpu.dma_semaphore, #tpu.memory_space<semaphore_mem>>
        %dma_start3A_45 = arith.constant 0 : i32
        %dma_start3A_46 = tpu.memref_slice %arg6[%add3A_44, %dma_start3A_45] : memref<20000x64xf32, #tpu.memory_space<hbm>> -> memref<625x64xf32, #tpu.memory_space<hbm>>
        %dma_start3A_47 = arith.constant 0 : i32
        %dma_start3A_48 = tpu.memref_slice %arg13[%mul3A_41, %dma_start3A_47] : memref<10000x64xf32, #tpu.memory_space<vmem_shared>> -> memref<625x64xf32, #tpu.memory_space<vmem_shared>>
        tpu.enqueue_dma source(%dma_start3A_48 : memref<625x64xf32, #tpu.memory_space<vmem_shared>>) target(%dma_start3A_46 : memref<625x64xf32, #tpu.memory_space<hbm>>) target_semaphore(%run_scoped3A : memref<!tpu.dma_semaphore, #tpu.memory_space<semaphore_mem>>)
        %dma_wait3A_49 = arith.constant 0 : i32
        %dma_wait3A_50 = tpu.memref_slice %arg6[%add3A_44, %dma_wait3A_49] : memref<20000x64xf32, #tpu.memory_space<hbm>> -> memref<625x64xf32, #tpu.memory_space<hbm>>
        %dma_wait3A_51 = arith.constant 0 : i32
        %dma_wait3A_52 = tpu.memref_slice %arg13[%mul3A_41, %dma_wait3A_51] : memref<10000x64xf32, #tpu.memory_space<vmem_shared>> -> memref<625x64xf32, #tpu.memory_space<vmem_shared>>
        tpu.wait_dma2 semaphore(%run_scoped3A : memref<!tpu.dma_semaphore, #tpu.memory_space<semaphore_mem>>) src(%dma_wait3A_52 : memref<625x64xf32, #tpu.memory_space<vmem_shared>>) dst(%dma_wait3A_50 : memref<625x64xf32, #tpu.memory_space<hbm>>)
        tpu.yield
      }) : () -> ()
    } else {
    }
    return
  }
}

#map = affine_map<(d0, d1) -> (0)>
#map1 = affine_map<(d0, d1) -> (0, 0)>
module attributes {stable_mosaic.version = 14 : i64} {
  func.func @deg_kernel(%arg0: i32, %arg1: i32, %arg2: memref<320000xi32, #tpu.memory_space<hbm>>, %arg3: memref<320000xi32, #tpu.memory_space<hbm>>, %arg4: memref<10000xf32, #tpu.memory_space<hbm>>, %arg5: memref<32x10000xf32, #tpu.memory_space<hbm>>, %arg6: memref<32x10000xf32, #tpu.memory_space<hbm>>, %arg7: memref<10000xi32, #tpu.memory_space<vmem>>, %arg8: memref<10000xi32, #tpu.memory_space<vmem>>, %arg9: memref<10000xf32, #tpu.memory_space<vmem>>, %arg10: memref<10000xf32, #tpu.memory_space<vmem>>) attributes {dimension_semantics = [#tpu.dimension_semantics<core_parallel>, #tpu.dimension_semantics<subcore_parallel>], iteration_bounds = array<i64: 2, 16>, scalar_prefetch = 0 : i64, scratch_operands = 4 : i64, tpu.core_type = #tpu.core_type<sc_vector_subcore>, window_params = [{transform_indices = #map}, {transform_indices = #map}, {transform_indices = #map}, {transform_indices = #map1}, {transform_indices = #map1}]} {
    %mul3A = arith.constant 2 : i32
    %mul3A_0 = arith.muli %arg1, %mul3A : i32
    %add3A = arith.addi %mul3A_0, %arg0 : i32
    %mul3A_1 = arith.constant 10000 : i32
    %mul3A_2 = arith.muli %add3A, %mul3A_1 : i32
    "tpu.region"() ({
      %run_scoped3A = tpu.sem_alloc : memref<!tpu.dma_semaphore, #tpu.memory_space<semaphore_mem>>
      %dma_start3A = tpu.memref_slice %arg2[%mul3A_2] : memref<320000xi32, #tpu.memory_space<hbm>> -> memref<10000xi32, #tpu.memory_space<hbm>>
      %dma_start3A_14 = tpu.memref_slice %arg2[%mul3A_2] : memref<320000xi32, #tpu.memory_space<hbm>> -> memref<10000xi32, #tpu.memory_space<hbm>>
      tpu.enqueue_dma source(%dma_start3A_14 : memref<10000xi32, #tpu.memory_space<hbm>>) target(%arg7 : memref<10000xi32, #tpu.memory_space<vmem>>) target_semaphore(%run_scoped3A : memref<!tpu.dma_semaphore, #tpu.memory_space<semaphore_mem>>)
      %dma_wait3A = tpu.memref_slice %arg2[%mul3A_2] : memref<320000xi32, #tpu.memory_space<hbm>> -> memref<10000xi32, #tpu.memory_space<hbm>>
      %dma_wait3A_15 = tpu.memref_slice %arg2[%mul3A_2] : memref<320000xi32, #tpu.memory_space<hbm>> -> memref<10000xi32, #tpu.memory_space<hbm>>
      tpu.wait_dma2 semaphore(%run_scoped3A : memref<!tpu.dma_semaphore, #tpu.memory_space<semaphore_mem>>) src(%dma_wait3A_15 : memref<10000xi32, #tpu.memory_space<hbm>>) dst(%arg7 : memref<10000xi32, #tpu.memory_space<vmem>>)
      tpu.yield
    }) : () -> ()
    "tpu.region"() ({
      %run_scoped3A = tpu.sem_alloc : memref<!tpu.dma_semaphore, #tpu.memory_space<semaphore_mem>>
      %dma_start3A = tpu.memref_slice %arg3[%mul3A_2] : memref<320000xi32, #tpu.memory_space<hbm>> -> memref<10000xi32, #tpu.memory_space<hbm>>
      %dma_start3A_14 = tpu.memref_slice %arg3[%mul3A_2] : memref<320000xi32, #tpu.memory_space<hbm>> -> memref<10000xi32, #tpu.memory_space<hbm>>
      tpu.enqueue_dma source(%dma_start3A_14 : memref<10000xi32, #tpu.memory_space<hbm>>) target(%arg8 : memref<10000xi32, #tpu.memory_space<vmem>>) target_semaphore(%run_scoped3A : memref<!tpu.dma_semaphore, #tpu.memory_space<semaphore_mem>>)
      %dma_wait3A = tpu.memref_slice %arg3[%mul3A_2] : memref<320000xi32, #tpu.memory_space<hbm>> -> memref<10000xi32, #tpu.memory_space<hbm>>
      %dma_wait3A_15 = tpu.memref_slice %arg3[%mul3A_2] : memref<320000xi32, #tpu.memory_space<hbm>> -> memref<10000xi32, #tpu.memory_space<hbm>>
      tpu.wait_dma2 semaphore(%run_scoped3A : memref<!tpu.dma_semaphore, #tpu.memory_space<semaphore_mem>>) src(%dma_wait3A_15 : memref<10000xi32, #tpu.memory_space<hbm>>) dst(%arg8 : memref<10000xi32, #tpu.memory_space<vmem>>)
      tpu.yield
    }) : () -> ()
    "tpu.region"() ({
      %run_scoped3A = tpu.sem_alloc : memref<!tpu.dma_semaphore, #tpu.memory_space<semaphore_mem>>
      tpu.enqueue_dma source(%arg4 : memref<10000xf32, #tpu.memory_space<hbm>>) target(%arg9 : memref<10000xf32, #tpu.memory_space<vmem>>) target_semaphore(%run_scoped3A : memref<!tpu.dma_semaphore, #tpu.memory_space<semaphore_mem>>)
      tpu.wait_dma2 semaphore(%run_scoped3A : memref<!tpu.dma_semaphore, #tpu.memory_space<semaphore_mem>>) src(%arg4 : memref<10000xf32, #tpu.memory_space<hbm>>) dst(%arg9 : memref<10000xf32, #tpu.memory_space<vmem>>)
      tpu.yield
    }) : () -> ()
    "tpu.region"() ({
      %run_scoped3A = tpu.sem_alloc : memref<!tpu.dma_semaphore, #tpu.memory_space<semaphore_mem>>
      tpu.enqueue_dma source(%arg4 : memref<10000xf32, #tpu.memory_space<hbm>>) target(%arg10 : memref<10000xf32, #tpu.memory_space<vmem>>) target_semaphore(%run_scoped3A : memref<!tpu.dma_semaphore, #tpu.memory_space<semaphore_mem>>)
      tpu.wait_dma2 semaphore(%run_scoped3A : memref<!tpu.dma_semaphore, #tpu.memory_space<semaphore_mem>>) src(%arg4 : memref<10000xf32, #tpu.memory_space<hbm>>) dst(%arg10 : memref<10000xf32, #tpu.memory_space<vmem>>)
      tpu.yield
    }) : () -> ()
    %broadcast_in_dim3A = arith.constant 1.000000e+00 : f32
    %broadcast_in_dim3A_3 = vector.broadcast %broadcast_in_dim3A : f32 to vector<16xf32>
    %while3A = arith.constant 0 : i32
    %while3A_4 = arith.constant 0 : i32
    %while3A_5 = arith.constant 625 : i32
    %while3A_6 = arith.subi %while3A_5, %while3A_4 : i32
    %while3A_7 = arith.addi %while3A_4, %while3A_6 : i32
    %while3A_8 = arith.constant 1 : i32
    %while3A_9 = arith.divsi %while3A_6, %while3A_8 : i32
    %while3A_10 = arith.muli %while3A_9, %while3A_8 : i32
    %while3A_11 = arith.addi %while3A_4, %while3A_10 : i32
    %while3A_12 = arith.constant 1 : i32
    scf.for %while3A_14 = %while3A_4 to %while3A_11 step %while3A_12  : i32 {
      %mul3A_15 = arith.constant 16 : i32
      %mul3A_16 = arith.muli %while3A_14, %mul3A_15 : i32
      %get3A = arith.index_cast %mul3A_16 : i32 to index
      %get3A_17 = tpu.vector_load %arg7[%get3A] {strides = array<i32>} : memref<10000xi32, #tpu.memory_space<vmem>>, vector<16xi32>,
      tpu.vector_store_idx %arg9[%get3A_17], %broadcast_in_dim3A_3 {add = true} : memref<10000xf32, #tpu.memory_space<vmem>>[vector<16xi32>], vector<16xf32>,
      %get3A_18 = arith.index_cast %mul3A_16 : i32 to index
      %get3A_19 = tpu.vector_load %arg8[%get3A_18] {strides = array<i32>} : memref<10000xi32, #tpu.memory_space<vmem>>, vector<16xi32>,
      tpu.vector_store_idx %arg10[%get3A_19], %broadcast_in_dim3A_3 {add = true} : memref<10000xf32, #tpu.memory_space<vmem>>[vector<16xi32>], vector<16xf32>,
    }
    %while3A_13 = arith.constant 1 : i32
    scf.for %while3A_14 = %while3A_11 to %while3A_7 step %while3A_13  : i32 {
      %mul3A_15 = arith.constant 16 : i32
      %mul3A_16 = arith.muli %while3A_14, %mul3A_15 : i32
      %get3A = arith.index_cast %mul3A_16 : i32 to index
      %get3A_17 = tpu.vector_load %arg7[%get3A] {strides = array<i32>} : memref<10000xi32, #tpu.memory_space<vmem>>, vector<16xi32>,
      tpu.vector_store_idx %arg9[%get3A_17], %broadcast_in_dim3A_3 {add = true} : memref<10000xf32, #tpu.memory_space<vmem>>[vector<16xi32>], vector<16xf32>,
      %get3A_18 = arith.index_cast %mul3A_16 : i32 to index
      %get3A_19 = tpu.vector_load %arg8[%get3A_18] {strides = array<i32>} : memref<10000xi32, #tpu.memory_space<vmem>>, vector<16xi32>,
      tpu.vector_store_idx %arg10[%get3A_19], %broadcast_in_dim3A_3 {add = true} : memref<10000xf32, #tpu.memory_space<vmem>>[vector<16xi32>], vector<16xf32>,
    }
    "tpu.region"() ({
      %run_scoped3A = tpu.sem_alloc : memref<!tpu.dma_semaphore, #tpu.memory_space<semaphore_mem>>
      %dma_start3A = arith.constant 0 : i32
      %dma_start3A_14 = tpu.memref_slice %arg5[%add3A, %dma_start3A] : memref<32x10000xf32, #tpu.memory_space<hbm>> -> memref<1x10000xf32, #tpu.memory_space<hbm>>
      %dma_start3A_15 = tpu.memref_squeeze %dma_start3A_14 : memref<1x10000xf32, #tpu.memory_space<hbm>> -> memref<10000xf32, #tpu.memory_space<hbm>>
      %dma_start3A_16 = arith.constant 0 : i32
      %dma_start3A_17 = tpu.memref_slice %arg5[%add3A, %dma_start3A_16] : memref<32x10000xf32, #tpu.memory_space<hbm>> -> memref<1x10000xf32, #tpu.memory_space<hbm>>
      %dma_start3A_18 = tpu.memref_squeeze %dma_start3A_17 : memref<1x10000xf32, #tpu.memory_space<hbm>> -> memref<10000xf32, #tpu.memory_space<hbm>>
      tpu.enqueue_dma source(%arg9 : memref<10000xf32, #tpu.memory_space<vmem>>) target(%dma_start3A_18 : memref<10000xf32, #tpu.memory_space<hbm>>) target_semaphore(%run_scoped3A : memref<!tpu.dma_semaphore, #tpu.memory_space<semaphore_mem>>)
      %dma_wait3A = arith.constant 0 : i32
      %dma_wait3A_19 = tpu.memref_slice %arg5[%add3A, %dma_wait3A] : memref<32x10000xf32, #tpu.memory_space<hbm>> -> memref<1x10000xf32, #tpu.memory_space<hbm>>
      %dma_wait3A_20 = tpu.memref_squeeze %dma_wait3A_19 : memref<1x10000xf32, #tpu.memory_space<hbm>> -> memref<10000xf32, #tpu.memory_space<hbm>>
      %dma_wait3A_21 = arith.constant 0 : i32
      %dma_wait3A_22 = tpu.memref_slice %arg5[%add3A, %dma_wait3A_21] : memref<32x10000xf32, #tpu.memory_space<hbm>> -> memref<1x10000xf32, #tpu.memory_space<hbm>>
      %dma_wait3A_23 = tpu.memref_squeeze %dma_wait3A_22 : memref<1x10000xf32, #tpu.memory_space<hbm>> -> memref<10000xf32, #tpu.memory_space<hbm>>
      tpu.wait_dma2 semaphore(%run_scoped3A : memref<!tpu.dma_semaphore, #tpu.memory_space<semaphore_mem>>) src(%arg9 : memref<10000xf32, #tpu.memory_space<vmem>>) dst(%dma_wait3A_23 : memref<10000xf32, #tpu.memory_space<hbm>>)
      tpu.yield
    }) : () -> ()
    "tpu.region"() ({
      %run_scoped3A = tpu.sem_alloc : memref<!tpu.dma_semaphore, #tpu.memory_space<semaphore_mem>>
      %dma_start3A = arith.constant 0 : i32
      %dma_start3A_14 = tpu.memref_slice %arg6[%add3A, %dma_start3A] : memref<32x10000xf32, #tpu.memory_space<hbm>> -> memref<1x10000xf32, #tpu.memory_space<hbm>>
      %dma_start3A_15 = tpu.memref_squeeze %dma_start3A_14 : memref<1x10000xf32, #tpu.memory_space<hbm>> -> memref<10000xf32, #tpu.memory_space<hbm>>
      %dma_start3A_16 = arith.constant 0 : i32
      %dma_start3A_17 = tpu.memref_slice %arg6[%add3A, %dma_start3A_16] : memref<32x10000xf32, #tpu.memory_space<hbm>> -> memref<1x10000xf32, #tpu.memory_space<hbm>>
      %dma_start3A_18 = tpu.memref_squeeze %dma_start3A_17 : memref<1x10000xf32, #tpu.memory_space<hbm>> -> memref<10000xf32, #tpu.memory_space<hbm>>
      tpu.enqueue_dma source(%arg10 : memref<10000xf32, #tpu.memory_space<vmem>>) target(%dma_start3A_18 : memref<10000xf32, #tpu.memory_space<hbm>>) target_semaphore(%run_scoped3A : memref<!tpu.dma_semaphore, #tpu.memory_space<semaphore_mem>>)
      %dma_wait3A = arith.constant 0 : i32
      %dma_wait3A_19 = tpu.memref_slice %arg6[%add3A, %dma_wait3A] : memref<32x10000xf32, #tpu.memory_space<hbm>> -> memref<1x10000xf32, #tpu.memory_space<hbm>>
      %dma_wait3A_20 = tpu.memref_squeeze %dma_wait3A_19 : memref<1x10000xf32, #tpu.memory_space<hbm>> -> memref<10000xf32, #tpu.memory_space<hbm>>
      %dma_wait3A_21 = arith.constant 0 : i32
      %dma_wait3A_22 = tpu.memref_slice %arg6[%add3A, %dma_wait3A_21] : memref<32x10000xf32, #tpu.memory_space<hbm>> -> memref<1x10000xf32, #tpu.memory_space<hbm>>
      %dma_wait3A_23 = tpu.memref_squeeze %dma_wait3A_22 : memref<1x10000xf32, #tpu.memory_space<hbm>> -> memref<10000xf32, #tpu.memory_space<hbm>>
      tpu.wait_dma2 semaphore(%run_scoped3A : memref<!tpu.dma_semaphore, #tpu.memory_space<semaphore_mem>>) src(%arg10 : memref<10000xf32, #tpu.memory_space<vmem>>) dst(%dma_wait3A_23 : memref<10000xf32, #tpu.memory_space<hbm>>)
      tpu.yield
    }) : () -> ()
    return
  }
}

#map = affine_map<(d0, d1) -> (0, 0)>
#map1 = affine_map<(d0, d1) -> (0)>
module attributes {stable_mosaic.version = 14 : i64} {
  func.func @agg_kernel(%arg0: i32, %arg1: i32, %arg2: memref<10000x128xf32, #tpu.memory_space<hbm>>, %arg3: memref<320000xi32, #tpu.memory_space<hbm>>, %arg4: memref<320000xi32, #tpu.memory_space<hbm>>, %arg5: memref<625x128xf32, #tpu.memory_space<hbm>>, %arg6: memref<20000x128xf32, #tpu.memory_space<hbm>>, %arg7: memref<192xi32, #tpu.memory_space<vmem>>, %arg8: memref<192xi32, #tpu.memory_space<vmem>>, %arg9: memref<192xi32, #tpu.memory_space<vmem>>, %arg10: memref<192xi32, #tpu.memory_space<vmem>>, %arg11: memref<192x128xf32, #tpu.memory_space<vmem>>, %arg12: memref<192x128xf32, #tpu.memory_space<vmem>>, %arg13: memref<10000x128xf32, #tpu.memory_space<vmem_shared>>, %arg14: memref<!tpu.dma_semaphore, #tpu.memory_space<semaphore_mem>>, %arg15: memref<!tpu.dma_semaphore, #tpu.memory_space<semaphore_mem>>, %arg16: memref<16xi32, #tpu.memory_space<vmem>>) attributes {dimension_semantics = [#tpu.dimension_semantics<core_parallel>, #tpu.dimension_semantics<subcore_parallel>], iteration_bounds = array<i64: 2, 16>, scalar_prefetch = 0 : i64, scratch_operands = 10 : i64, tpu.core_type = #tpu.core_type<sc_vector_subcore>, window_params = [{transform_indices = #map}, {transform_indices = #map1}, {transform_indices = #map1}, {transform_indices = #map}, {transform_indices = #map}]} {
    %mul3A = arith.constant 2 : i32
    %mul3A_0 = arith.muli %arg1, %mul3A : i32
    %add3A = arith.addi %mul3A_0, %arg0 : i32
    %mul3A_1 = arith.constant 10000 : i32
    %mul3A_2 = arith.muli %add3A, %mul3A_1 : i32
    %lt3A = arith.constant 16 : i32
    %lt3A_3 = arith.cmpi slt, %arg1, %lt3A : i32
    %convert_element_type3A = arith.extui %lt3A_3 : i1 to i32
    %cond3A = arith.constant 0 : i32
    %cond3A_4 = arith.cmpi ne, %convert_element_type3A, %cond3A : i32
    scf.if %cond3A_4 {
      %mul3A_32 = arith.constant 625 : i32
      %mul3A_33 = arith.muli %arg1, %mul3A_32 : i32
      "tpu.region"() ({
        %run_scoped3A = tpu.sem_alloc : memref<!tpu.dma_semaphore, #tpu.memory_space<semaphore_mem>>
        %dma_start3A_34 = arith.constant 0 : i32
        %dma_start3A_35 = tpu.memref_slice %arg13[%mul3A_33, %dma_start3A_34] : memref<10000x128xf32, #tpu.memory_space<vmem_shared>> -> memref<625x128xf32, #tpu.memory_space<vmem_shared>>
        tpu.enqueue_dma source(%arg5 : memref<625x128xf32, #tpu.memory_space<hbm>>) target(%dma_start3A_35 : memref<625x128xf32, #tpu.memory_space<vmem_shared>>) target_semaphore(%run_scoped3A : memref<!tpu.dma_semaphore, #tpu.memory_space<semaphore_mem>>)
        %dma_wait3A_36 = arith.constant 0 : i32
        %dma_wait3A_37 = tpu.memref_slice %arg13[%mul3A_33, %dma_wait3A_36] : memref<10000x128xf32, #tpu.memory_space<vmem_shared>> -> memref<625x128xf32, #tpu.memory_space<vmem_shared>>
        tpu.wait_dma2 semaphore(%run_scoped3A : memref<!tpu.dma_semaphore, #tpu.memory_space<semaphore_mem>>) src(%arg5 : memref<625x128xf32, #tpu.memory_space<hbm>>) dst(%dma_wait3A_37 : memref<625x128xf32, #tpu.memory_space<vmem_shared>>)
        tpu.yield
      }) : () -> ()
    } else {
    }
    %barrier3A = arith.constant 0 : index
    tpu.barrier barrier_id(%barrier3A)
    "tpu.region"() ({
      %run_scoped3A = tpu.sem_alloc : memref<!tpu.dma_semaphore, #tpu.memory_space<semaphore_mem>>
      %dma_start3A_32 = tpu.memref_slice %arg3[%mul3A_2] : memref<320000xi32, #tpu.memory_space<hbm>> -> memref<192xi32, #tpu.memory_space<hbm>>
      %dma_start3A_33 = tpu.memref_slice %arg3[%mul3A_2] : memref<320000xi32, #tpu.memory_space<hbm>> -> memref<192xi32, #tpu.memory_space<hbm>>
      tpu.enqueue_dma source(%dma_start3A_33 : memref<192xi32, #tpu.memory_space<hbm>>) target(%arg7 : memref<192xi32, #tpu.memory_space<vmem>>) target_semaphore(%run_scoped3A : memref<!tpu.dma_semaphore, #tpu.memory_space<semaphore_mem>>)
      %dma_wait3A_34 = tpu.memref_slice %arg3[%mul3A_2] : memref<320000xi32, #tpu.memory_space<hbm>> -> memref<192xi32, #tpu.memory_space<hbm>>
      %dma_wait3A_35 = tpu.memref_slice %arg3[%mul3A_2] : memref<320000xi32, #tpu.memory_space<hbm>> -> memref<192xi32, #tpu.memory_space<hbm>>
      tpu.wait_dma2 semaphore(%run_scoped3A : memref<!tpu.dma_semaphore, #tpu.memory_space<semaphore_mem>>) src(%dma_wait3A_35 : memref<192xi32, #tpu.memory_space<hbm>>) dst(%arg7 : memref<192xi32, #tpu.memory_space<vmem>>)
      tpu.yield
    }) : () -> ()
    "tpu.region"() ({
      %run_scoped3A = tpu.sem_alloc : memref<!tpu.dma_semaphore, #tpu.memory_space<semaphore_mem>>
      %dma_start3A_32 = tpu.memref_slice %arg4[%mul3A_2] : memref<320000xi32, #tpu.memory_space<hbm>> -> memref<192xi32, #tpu.memory_space<hbm>>
      %dma_start3A_33 = tpu.memref_slice %arg4[%mul3A_2] : memref<320000xi32, #tpu.memory_space<hbm>> -> memref<192xi32, #tpu.memory_space<hbm>>
      tpu.enqueue_dma source(%dma_start3A_33 : memref<192xi32, #tpu.memory_space<hbm>>) target(%arg8 : memref<192xi32, #tpu.memory_space<vmem>>) target_semaphore(%run_scoped3A : memref<!tpu.dma_semaphore, #tpu.memory_space<semaphore_mem>>)
      %dma_wait3A_34 = tpu.memref_slice %arg4[%mul3A_2] : memref<320000xi32, #tpu.memory_space<hbm>> -> memref<192xi32, #tpu.memory_space<hbm>>
      %dma_wait3A_35 = tpu.memref_slice %arg4[%mul3A_2] : memref<320000xi32, #tpu.memory_space<hbm>> -> memref<192xi32, #tpu.memory_space<hbm>>
      tpu.wait_dma2 semaphore(%run_scoped3A : memref<!tpu.dma_semaphore, #tpu.memory_space<semaphore_mem>>) src(%dma_wait3A_35 : memref<192xi32, #tpu.memory_space<hbm>>) dst(%arg8 : memref<192xi32, #tpu.memory_space<vmem>>)
      tpu.yield
    }) : () -> ()
    %dma_start3A = arith.constant 0 : i32
    %dma_start3A_5 = arith.constant 0 : i32
    %dma_start3A_6 = tpu.memref_slice %arg2[%dma_start3A, %dma_start3A_5] : memref<10000x128xf32, #tpu.memory_space<hbm>> -> memref<10000x128xf32, #tpu.memory_space<hbm>>
    tpu.enqueue_indirect_dma source(%dma_start3A_6 : memref<10000x128xf32, #tpu.memory_space<hbm>>) target(%arg11 : memref<192x128xf32, #tpu.memory_space<vmem>>) offsets(%arg7 : memref<192xi32, #tpu.memory_space<vmem>>) semaphore(%arg14 : memref<!tpu.dma_semaphore, #tpu.memory_space<semaphore_mem>>)
    %while3A = arith.constant 0 : i32
    %while3A_7 = arith.constant 0 : i32
    %while3A_8 = arith.constant 26 : i32
    %while3A_9 = arith.subi %while3A_8, %while3A_7 : i32
    %while3A_10 = arith.addi %while3A_7, %while3A_9 : i32
    %while3A_11 = arith.constant 1 : i32
    %while3A_12 = arith.divsi %while3A_9, %while3A_11 : i32
    %while3A_13 = arith.muli %while3A_12, %while3A_11 : i32
    %while3A_14 = arith.addi %while3A_7, %while3A_13 : i32
    %while3A_15 = arith.constant 1 : i32
    scf.for %while3A_32 = %while3A_7 to %while3A_14 step %while3A_15  : i32 {
      %mul3A_33 = arith.constant 2 : i32
      %mul3A_34 = arith.muli %mul3A_33, %while3A_32 : i32
      %add3A_35 = arith.constant 1 : i32
      %add3A_36 = arith.addi %mul3A_34, %add3A_35 : i32
      %mul3A_37 = arith.constant 192 : i32
      %mul3A_38 = arith.muli %add3A_36, %mul3A_37 : i32
      %add3A_39 = arith.addi %mul3A_2, %mul3A_38 : i32
      "tpu.region"() ({
        %run_scoped3A = tpu.sem_alloc : memref<!tpu.dma_semaphore, #tpu.memory_space<semaphore_mem>>
        %dma_start3A_54 = tpu.memref_slice %arg3[%add3A_39] : memref<320000xi32, #tpu.memory_space<hbm>> -> memref<192xi32, #tpu.memory_space<hbm>>
        %dma_start3A_55 = tpu.memref_slice %arg3[%add3A_39] : memref<320000xi32, #tpu.memory_space<hbm>> -> memref<192xi32, #tpu.memory_space<hbm>>
        tpu.enqueue_dma source(%dma_start3A_55 : memref<192xi32, #tpu.memory_space<hbm>>) target(%arg9 : memref<192xi32, #tpu.memory_space<vmem>>) target_semaphore(%run_scoped3A : memref<!tpu.dma_semaphore, #tpu.memory_space<semaphore_mem>>)
        %dma_wait3A_56 = tpu.memref_slice %arg3[%add3A_39] : memref<320000xi32, #tpu.memory_space<hbm>> -> memref<192xi32, #tpu.memory_space<hbm>>
        %dma_wait3A_57 = tpu.memref_slice %arg3[%add3A_39] : memref<320000xi32, #tpu.memory_space<hbm>> -> memref<192xi32, #tpu.memory_space<hbm>>
        tpu.wait_dma2 semaphore(%run_scoped3A : memref<!tpu.dma_semaphore, #tpu.memory_space<semaphore_mem>>) src(%dma_wait3A_57 : memref<192xi32, #tpu.memory_space<hbm>>) dst(%arg9 : memref<192xi32, #tpu.memory_space<vmem>>)
        tpu.yield
      }) : () -> ()
      "tpu.region"() ({
        %run_scoped3A = tpu.sem_alloc : memref<!tpu.dma_semaphore, #tpu.memory_space<semaphore_mem>>
        %dma_start3A_54 = tpu.memref_slice %arg4[%add3A_39] : memref<320000xi32, #tpu.memory_space<hbm>> -> memref<192xi32, #tpu.memory_space<hbm>>
        %dma_start3A_55 = tpu.memref_slice %arg4[%add3A_39] : memref<320000xi32, #tpu.memory_space<hbm>> -> memref<192xi32, #tpu.memory_space<hbm>>
        tpu.enqueue_dma source(%dma_start3A_55 : memref<192xi32, #tpu.memory_space<hbm>>) target(%arg10 : memref<192xi32, #tpu.memory_space<vmem>>) target_semaphore(%run_scoped3A : memref<!tpu.dma_semaphore, #tpu.memory_space<semaphore_mem>>)
        %dma_wait3A_56 = tpu.memref_slice %arg4[%add3A_39] : memref<320000xi32, #tpu.memory_space<hbm>> -> memref<192xi32, #tpu.memory_space<hbm>>
        %dma_wait3A_57 = tpu.memref_slice %arg4[%add3A_39] : memref<320000xi32, #tpu.memory_space<hbm>> -> memref<192xi32, #tpu.memory_space<hbm>>
        tpu.wait_dma2 semaphore(%run_scoped3A : memref<!tpu.dma_semaphore, #tpu.memory_space<semaphore_mem>>) src(%dma_wait3A_57 : memref<192xi32, #tpu.memory_space<hbm>>) dst(%arg10 : memref<192xi32, #tpu.memory_space<vmem>>)
        tpu.yield
      }) : () -> ()
      %dma_start3A_40 = arith.constant 0 : i32
      %dma_start3A_41 = arith.constant 0 : i32
      %dma_start3A_42 = tpu.memref_slice %arg2[%dma_start3A_40, %dma_start3A_41] : memref<10000x128xf32, #tpu.memory_space<hbm>> -> memref<10000x128xf32, #tpu.memory_space<hbm>>
      tpu.enqueue_indirect_dma source(%dma_start3A_42 : memref<10000x128xf32, #tpu.memory_space<hbm>>) target(%arg12 : memref<192x128xf32, #tpu.memory_space<vmem>>) offsets(%arg9 : memref<192xi32, #tpu.memory_space<vmem>>) semaphore(%arg15 : memref<!tpu.dma_semaphore, #tpu.memory_space<semaphore_mem>>)
      %dma_wait3A_43 = arith.constant 0 : i32
      %dma_wait3A_44 = arith.constant 0 : i32
      %dma_wait3A_45 = tpu.memref_slice %arg2[%dma_wait3A_43, %dma_wait3A_44] : memref<10000x128xf32, #tpu.memory_space<hbm>> -> memref<10000x128xf32, #tpu.memory_space<hbm>>
      tpu.wait_indirect_dma semaphore(%arg14 : memref<!tpu.dma_semaphore, #tpu.memory_space<semaphore_mem>>) src(%dma_wait3A_45 : memref<10000x128xf32, #tpu.memory_space<hbm>>) dst(%arg11 : memref<192x128xf32, #tpu.memory_space<vmem>>)
      "tpu.region"() ({
        %run_scoped3A = tpu.sem_alloc : memref<!tpu.dma_semaphore, #tpu.memory_space<semaphore_mem>>
        %dma_start3A_54 = arith.constant 0 : i32
        %dma_start3A_55 = arith.constant 0 : i32
        %dma_start3A_56 = tpu.memref_slice %arg13[%dma_start3A_54, %dma_start3A_55] : memref<10000x128xf32, #tpu.memory_space<vmem_shared>> -> memref<10000x128xf32, #tpu.memory_space<vmem_shared>>
        tpu.enqueue_indirect_dma source(%arg11 : memref<192x128xf32, #tpu.memory_space<vmem>>) target(%dma_start3A_56 : memref<10000x128xf32, #tpu.memory_space<vmem_shared>>) offsets(%arg8 : memref<192xi32, #tpu.memory_space<vmem>>) semaphore(%run_scoped3A : memref<!tpu.dma_semaphore, #tpu.memory_space<semaphore_mem>>) {add = true}
        %dma_wait3A_57 = arith.constant 0 : i32
        %dma_wait3A_58 = arith.constant 0 : i32
        %dma_wait3A_59 = tpu.memref_slice %arg13[%dma_wait3A_57, %dma_wait3A_58] : memref<10000x128xf32, #tpu.memory_space<vmem_shared>> -> memref<10000x128xf32, #tpu.memory_space<vmem_shared>>
        tpu.wait_indirect_dma semaphore(%run_scoped3A : memref<!tpu.dma_semaphore, #tpu.memory_space<semaphore_mem>>) src(%arg11 : memref<192x128xf32, #tpu.memory_space<vmem>>) dst(%dma_wait3A_59 : memref<10000x128xf32, #tpu.memory_space<vmem_shared>>)
        tpu.yield
      }) : () -> ()
      %lt3A_46 = arith.constant 25 : i32
      %lt3A_47 = arith.cmpi slt, %while3A_32, %lt3A_46 : i32
      %convert_element_type3A_48 = arith.extui %lt3A_47 : i1 to i32
      %cond3A_49 = arith.constant 0 : i32
      %cond3A_50 = arith.cmpi ne, %convert_element_type3A_48, %cond3A_49 : i32
      scf.if %cond3A_50 {
        %mul3A_54 = arith.constant 2 : i32
        %mul3A_55 = arith.muli %mul3A_54, %while3A_32 : i32
        %add3A_56 = arith.constant 2 : i32
        %add3A_57 = arith.addi %mul3A_55, %add3A_56 : i32
        %mul3A_58 = arith.constant 192 : i32
        %mul3A_59 = arith.muli %add3A_57, %mul3A_58 : i32
        %add3A_60 = arith.addi %mul3A_2, %mul3A_59 : i32
        "tpu.region"() ({
          %run_scoped3A = tpu.sem_alloc : memref<!tpu.dma_semaphore, #tpu.memory_space<semaphore_mem>>
          %dma_start3A_64 = tpu.memref_slice %arg3[%add3A_60] : memref<320000xi32, #tpu.memory_space<hbm>> -> memref<192xi32, #tpu.memory_space<hbm>>
          %dma_start3A_65 = tpu.memref_slice %arg3[%add3A_60] : memref<320000xi32, #tpu.memory_space<hbm>> -> memref<192xi32, #tpu.memory_space<hbm>>
          tpu.enqueue_dma source(%dma_start3A_65 : memref<192xi32, #tpu.memory_space<hbm>>) target(%arg7 : memref<192xi32, #tpu.memory_space<vmem>>) target_semaphore(%run_scoped3A : memref<!tpu.dma_semaphore, #tpu.memory_space<semaphore_mem>>)
          %dma_wait3A_66 = tpu.memref_slice %arg3[%add3A_60] : memref<320000xi32, #tpu.memory_space<hbm>> -> memref<192xi32, #tpu.memory_space<hbm>>
          %dma_wait3A_67 = tpu.memref_slice %arg3[%add3A_60] : memref<320000xi32, #tpu.memory_space<hbm>> -> memref<192xi32, #tpu.memory_space<hbm>>
          tpu.wait_dma2 semaphore(%run_scoped3A : memref<!tpu.dma_semaphore, #tpu.memory_space<semaphore_mem>>) src(%dma_wait3A_67 : memref<192xi32, #tpu.memory_space<hbm>>) dst(%arg7 : memref<192xi32, #tpu.memory_space<vmem>>)
          tpu.yield
        }) : () -> ()
        "tpu.region"() ({
          %run_scoped3A = tpu.sem_alloc : memref<!tpu.dma_semaphore, #tpu.memory_space<semaphore_mem>>
          %dma_start3A_64 = tpu.memref_slice %arg4[%add3A_60] : memref<320000xi32, #tpu.memory_space<hbm>> -> memref<192xi32, #tpu.memory_space<hbm>>
          %dma_start3A_65 = tpu.memref_slice %arg4[%add3A_60] : memref<320000xi32, #tpu.memory_space<hbm>> -> memref<192xi32, #tpu.memory_space<hbm>>
          tpu.enqueue_dma source(%dma_start3A_65 : memref<192xi32, #tpu.memory_space<hbm>>) target(%arg8 : memref<192xi32, #tpu.memory_space<vmem>>) target_semaphore(%run_scoped3A : memref<!tpu.dma_semaphore, #tpu.memory_space<semaphore_mem>>)
          %dma_wait3A_66 = tpu.memref_slice %arg4[%add3A_60] : memref<320000xi32, #tpu.memory_space<hbm>> -> memref<192xi32, #tpu.memory_space<hbm>>
          %dma_wait3A_67 = tpu.memref_slice %arg4[%add3A_60] : memref<320000xi32, #tpu.memory_space<hbm>> -> memref<192xi32, #tpu.memory_space<hbm>>
          tpu.wait_dma2 semaphore(%run_scoped3A : memref<!tpu.dma_semaphore, #tpu.memory_space<semaphore_mem>>) src(%dma_wait3A_67 : memref<192xi32, #tpu.memory_space<hbm>>) dst(%arg8 : memref<192xi32, #tpu.memory_space<vmem>>)
          tpu.yield
        }) : () -> ()
        %dma_start3A_61 = arith.constant 0 : i32
        %dma_start3A_62 = arith.constant 0 : i32
        %dma_start3A_63 = tpu.memref_slice %arg2[%dma_start3A_61, %dma_start3A_62] : memref<10000x128xf32, #tpu.memory_space<hbm>> -> memref<10000x128xf32, #tpu.memory_space<hbm>>
        tpu.enqueue_indirect_dma source(%dma_start3A_63 : memref<10000x128xf32, #tpu.memory_space<hbm>>) target(%arg11 : memref<192x128xf32, #tpu.memory_space<vmem>>) offsets(%arg7 : memref<192xi32, #tpu.memory_space<vmem>>) semaphore(%arg14 : memref<!tpu.dma_semaphore, #tpu.memory_space<semaphore_mem>>)
      } else {
      }
      %dma_wait3A_51 = arith.constant 0 : i32
      %dma_wait3A_52 = arith.constant 0 : i32
      %dma_wait3A_53 = tpu.memref_slice %arg2[%dma_wait3A_51, %dma_wait3A_52] : memref<10000x128xf32, #tpu.memory_space<hbm>> -> memref<10000x128xf32, #tpu.memory_space<hbm>>
      tpu.wait_indirect_dma semaphore(%arg15 : memref<!tpu.dma_semaphore, #tpu.memory_space<semaphore_mem>>) src(%dma_wait3A_53 : memref<10000x128xf32, #tpu.memory_space<hbm>>) dst(%arg12 : memref<192x128xf32, #tpu.memory_space<vmem>>)
      "tpu.region"() ({
        %run_scoped3A = tpu.sem_alloc : memref<!tpu.dma_semaphore, #tpu.memory_space<semaphore_mem>>
        %dma_start3A_54 = arith.constant 0 : i32
        %dma_start3A_55 = arith.constant 0 : i32
        %dma_start3A_56 = tpu.memref_slice %arg13[%dma_start3A_54, %dma_start3A_55] : memref<10000x128xf32, #tpu.memory_space<vmem_shared>> -> memref<10000x128xf32, #tpu.memory_space<vmem_shared>>
        tpu.enqueue_indirect_dma source(%arg12 : memref<192x128xf32, #tpu.memory_space<vmem>>) target(%dma_start3A_56 : memref<10000x128xf32, #tpu.memory_space<vmem_shared>>) offsets(%arg10 : memref<192xi32, #tpu.memory_space<vmem>>) semaphore(%run_scoped3A : memref<!tpu.dma_semaphore, #tpu.memory_space<semaphore_mem>>) {add = true}
        %dma_wait3A_57 = arith.constant 0 : i32
        %dma_wait3A_58 = arith.constant 0 : i32
        %dma_wait3A_59 = tpu.memref_slice %arg13[%dma_wait3A_57, %dma_wait3A_58] : memref<10000x128xf32, #tpu.memory_space<vmem_shared>> -> memref<10000x128xf32, #tpu.memory_space<vmem_shared>>
        tpu.wait_indirect_dma semaphore(%run_scoped3A : memref<!tpu.dma_semaphore, #tpu.memory_space<semaphore_mem>>) src(%arg12 : memref<192x128xf32, #tpu.memory_space<vmem>>) dst(%dma_wait3A_59 : memref<10000x128xf32, #tpu.memory_space<vmem_shared>>)
        tpu.yield
      }) : () -> ()
    }
    %while3A_16 = arith.constant 1 : i32
    scf.for %while3A_32 = %while3A_14 to %while3A_10 step %while3A_16  : i32 {
      %mul3A_33 = arith.constant 2 : i32
      %mul3A_34 = arith.muli %mul3A_33, %while3A_32 : i32
      %add3A_35 = arith.constant 1 : i32
      %add3A_36 = arith.addi %mul3A_34, %add3A_35 : i32
      %mul3A_37 = arith.constant 192 : i32
      %mul3A_38 = arith.muli %add3A_36, %mul3A_37 : i32
      %add3A_39 = arith.addi %mul3A_2, %mul3A_38 : i32
      "tpu.region"() ({
        %run_scoped3A = tpu.sem_alloc : memref<!tpu.dma_semaphore, #tpu.memory_space<semaphore_mem>>
        %dma_start3A_54 = tpu.memref_slice %arg3[%add3A_39] : memref<320000xi32, #tpu.memory_space<hbm>> -> memref<192xi32, #tpu.memory_space<hbm>>
        %dma_start3A_55 = tpu.memref_slice %arg3[%add3A_39] : memref<320000xi32, #tpu.memory_space<hbm>> -> memref<192xi32, #tpu.memory_space<hbm>>
        tpu.enqueue_dma source(%dma_start3A_55 : memref<192xi32, #tpu.memory_space<hbm>>) target(%arg9 : memref<192xi32, #tpu.memory_space<vmem>>) target_semaphore(%run_scoped3A : memref<!tpu.dma_semaphore, #tpu.memory_space<semaphore_mem>>)
        %dma_wait3A_56 = tpu.memref_slice %arg3[%add3A_39] : memref<320000xi32, #tpu.memory_space<hbm>> -> memref<192xi32, #tpu.memory_space<hbm>>
        %dma_wait3A_57 = tpu.memref_slice %arg3[%add3A_39] : memref<320000xi32, #tpu.memory_space<hbm>> -> memref<192xi32, #tpu.memory_space<hbm>>
        tpu.wait_dma2 semaphore(%run_scoped3A : memref<!tpu.dma_semaphore, #tpu.memory_space<semaphore_mem>>) src(%dma_wait3A_57 : memref<192xi32, #tpu.memory_space<hbm>>) dst(%arg9 : memref<192xi32, #tpu.memory_space<vmem>>)
        tpu.yield
      }) : () -> ()
      "tpu.region"() ({
        %run_scoped3A = tpu.sem_alloc : memref<!tpu.dma_semaphore, #tpu.memory_space<semaphore_mem>>
        %dma_start3A_54 = tpu.memref_slice %arg4[%add3A_39] : memref<320000xi32, #tpu.memory_space<hbm>> -> memref<192xi32, #tpu.memory_space<hbm>>
        %dma_start3A_55 = tpu.memref_slice %arg4[%add3A_39] : memref<320000xi32, #tpu.memory_space<hbm>> -> memref<192xi32, #tpu.memory_space<hbm>>
        tpu.enqueue_dma source(%dma_start3A_55 : memref<192xi32, #tpu.memory_space<hbm>>) target(%arg10 : memref<192xi32, #tpu.memory_space<vmem>>) target_semaphore(%run_scoped3A : memref<!tpu.dma_semaphore, #tpu.memory_space<semaphore_mem>>)
        %dma_wait3A_56 = tpu.memref_slice %arg4[%add3A_39] : memref<320000xi32, #tpu.memory_space<hbm>> -> memref<192xi32, #tpu.memory_space<hbm>>
        %dma_wait3A_57 = tpu.memref_slice %arg4[%add3A_39] : memref<320000xi32, #tpu.memory_space<hbm>> -> memref<192xi32, #tpu.memory_space<hbm>>
        tpu.wait_dma2 semaphore(%run_scoped3A : memref<!tpu.dma_semaphore, #tpu.memory_space<semaphore_mem>>) src(%dma_wait3A_57 : memref<192xi32, #tpu.memory_space<hbm>>) dst(%arg10 : memref<192xi32, #tpu.memory_space<vmem>>)
        tpu.yield
      }) : () -> ()
      %dma_start3A_40 = arith.constant 0 : i32
      %dma_start3A_41 = arith.constant 0 : i32
      %dma_start3A_42 = tpu.memref_slice %arg2[%dma_start3A_40, %dma_start3A_41] : memref<10000x128xf32, #tpu.memory_space<hbm>> -> memref<10000x128xf32, #tpu.memory_space<hbm>>
      tpu.enqueue_indirect_dma source(%dma_start3A_42 : memref<10000x128xf32, #tpu.memory_space<hbm>>) target(%arg12 : memref<192x128xf32, #tpu.memory_space<vmem>>) offsets(%arg9 : memref<192xi32, #tpu.memory_space<vmem>>) semaphore(%arg15 : memref<!tpu.dma_semaphore, #tpu.memory_space<semaphore_mem>>)
      %dma_wait3A_43 = arith.constant 0 : i32
      %dma_wait3A_44 = arith.constant 0 : i32
      %dma_wait3A_45 = tpu.memref_slice %arg2[%dma_wait3A_43, %dma_wait3A_44] : memref<10000x128xf32, #tpu.memory_space<hbm>> -> memref<10000x128xf32, #tpu.memory_space<hbm>>
      tpu.wait_indirect_dma semaphore(%arg14 : memref<!tpu.dma_semaphore, #tpu.memory_space<semaphore_mem>>) src(%dma_wait3A_45 : memref<10000x128xf32, #tpu.memory_space<hbm>>) dst(%arg11 : memref<192x128xf32, #tpu.memory_space<vmem>>)
      "tpu.region"() ({
        %run_scoped3A = tpu.sem_alloc : memref<!tpu.dma_semaphore, #tpu.memory_space<semaphore_mem>>
        %dma_start3A_54 = arith.constant 0 : i32
        %dma_start3A_55 = arith.constant 0 : i32
        %dma_start3A_56 = tpu.memref_slice %arg13[%dma_start3A_54, %dma_start3A_55] : memref<10000x128xf32, #tpu.memory_space<vmem_shared>> -> memref<10000x128xf32, #tpu.memory_space<vmem_shared>>
        tpu.enqueue_indirect_dma source(%arg11 : memref<192x128xf32, #tpu.memory_space<vmem>>) target(%dma_start3A_56 : memref<10000x128xf32, #tpu.memory_space<vmem_shared>>) offsets(%arg8 : memref<192xi32, #tpu.memory_space<vmem>>) semaphore(%run_scoped3A : memref<!tpu.dma_semaphore, #tpu.memory_space<semaphore_mem>>) {add = true}
        %dma_wait3A_57 = arith.constant 0 : i32
        %dma_wait3A_58 = arith.constant 0 : i32
        %dma_wait3A_59 = tpu.memref_slice %arg13[%dma_wait3A_57, %dma_wait3A_58] : memref<10000x128xf32, #tpu.memory_space<vmem_shared>> -> memref<10000x128xf32, #tpu.memory_space<vmem_shared>>
        tpu.wait_indirect_dma semaphore(%run_scoped3A : memref<!tpu.dma_semaphore, #tpu.memory_space<semaphore_mem>>) src(%arg11 : memref<192x128xf32, #tpu.memory_space<vmem>>) dst(%dma_wait3A_59 : memref<10000x128xf32, #tpu.memory_space<vmem_shared>>)
        tpu.yield
      }) : () -> ()
      %lt3A_46 = arith.constant 25 : i32
      %lt3A_47 = arith.cmpi slt, %while3A_32, %lt3A_46 : i32
      %convert_element_type3A_48 = arith.extui %lt3A_47 : i1 to i32
      %cond3A_49 = arith.constant 0 : i32
      %cond3A_50 = arith.cmpi ne, %convert_element_type3A_48, %cond3A_49 : i32
      scf.if %cond3A_50 {
        %mul3A_54 = arith.constant 2 : i32
        %mul3A_55 = arith.muli %mul3A_54, %while3A_32 : i32
        %add3A_56 = arith.constant 2 : i32
        %add3A_57 = arith.addi %mul3A_55, %add3A_56 : i32
        %mul3A_58 = arith.constant 192 : i32
        %mul3A_59 = arith.muli %add3A_57, %mul3A_58 : i32
        %add3A_60 = arith.addi %mul3A_2, %mul3A_59 : i32
        "tpu.region"() ({
          %run_scoped3A = tpu.sem_alloc : memref<!tpu.dma_semaphore, #tpu.memory_space<semaphore_mem>>
          %dma_start3A_64 = tpu.memref_slice %arg3[%add3A_60] : memref<320000xi32, #tpu.memory_space<hbm>> -> memref<192xi32, #tpu.memory_space<hbm>>
          %dma_start3A_65 = tpu.memref_slice %arg3[%add3A_60] : memref<320000xi32, #tpu.memory_space<hbm>> -> memref<192xi32, #tpu.memory_space<hbm>>
          tpu.enqueue_dma source(%dma_start3A_65 : memref<192xi32, #tpu.memory_space<hbm>>) target(%arg7 : memref<192xi32, #tpu.memory_space<vmem>>) target_semaphore(%run_scoped3A : memref<!tpu.dma_semaphore, #tpu.memory_space<semaphore_mem>>)
          %dma_wait3A_66 = tpu.memref_slice %arg3[%add3A_60] : memref<320000xi32, #tpu.memory_space<hbm>> -> memref<192xi32, #tpu.memory_space<hbm>>
          %dma_wait3A_67 = tpu.memref_slice %arg3[%add3A_60] : memref<320000xi32, #tpu.memory_space<hbm>> -> memref<192xi32, #tpu.memory_space<hbm>>
          tpu.wait_dma2 semaphore(%run_scoped3A : memref<!tpu.dma_semaphore, #tpu.memory_space<semaphore_mem>>) src(%dma_wait3A_67 : memref<192xi32, #tpu.memory_space<hbm>>) dst(%arg7 : memref<192xi32, #tpu.memory_space<vmem>>)
          tpu.yield
        }) : () -> ()
        "tpu.region"() ({
          %run_scoped3A = tpu.sem_alloc : memref<!tpu.dma_semaphore, #tpu.memory_space<semaphore_mem>>
          %dma_start3A_64 = tpu.memref_slice %arg4[%add3A_60] : memref<320000xi32, #tpu.memory_space<hbm>> -> memref<192xi32, #tpu.memory_space<hbm>>
          %dma_start3A_65 = tpu.memref_slice %arg4[%add3A_60] : memref<320000xi32, #tpu.memory_space<hbm>> -> memref<192xi32, #tpu.memory_space<hbm>>
          tpu.enqueue_dma source(%dma_start3A_65 : memref<192xi32, #tpu.memory_space<hbm>>) target(%arg8 : memref<192xi32, #tpu.memory_space<vmem>>) target_semaphore(%run_scoped3A : memref<!tpu.dma_semaphore, #tpu.memory_space<semaphore_mem>>)
          %dma_wait3A_66 = tpu.memref_slice %arg4[%add3A_60] : memref<320000xi32, #tpu.memory_space<hbm>> -> memref<192xi32, #tpu.memory_space<hbm>>
          %dma_wait3A_67 = tpu.memref_slice %arg4[%add3A_60] : memref<320000xi32, #tpu.memory_space<hbm>> -> memref<192xi32, #tpu.memory_space<hbm>>
          tpu.wait_dma2 semaphore(%run_scoped3A : memref<!tpu.dma_semaphore, #tpu.memory_space<semaphore_mem>>) src(%dma_wait3A_67 : memref<192xi32, #tpu.memory_space<hbm>>) dst(%arg8 : memref<192xi32, #tpu.memory_space<vmem>>)
          tpu.yield
        }) : () -> ()
        %dma_start3A_61 = arith.constant 0 : i32
        %dma_start3A_62 = arith.constant 0 : i32
        %dma_start3A_63 = tpu.memref_slice %arg2[%dma_start3A_61, %dma_start3A_62] : memref<10000x128xf32, #tpu.memory_space<hbm>> -> memref<10000x128xf32, #tpu.memory_space<hbm>>
        tpu.enqueue_indirect_dma source(%dma_start3A_63 : memref<10000x128xf32, #tpu.memory_space<hbm>>) target(%arg11 : memref<192x128xf32, #tpu.memory_space<vmem>>) offsets(%arg7 : memref<192xi32, #tpu.memory_space<vmem>>) semaphore(%arg14 : memref<!tpu.dma_semaphore, #tpu.memory_space<semaphore_mem>>)
      } else {
      }
      %dma_wait3A_51 = arith.constant 0 : i32
      %dma_wait3A_52 = arith.constant 0 : i32
      %dma_wait3A_53 = tpu.memref_slice %arg2[%dma_wait3A_51, %dma_wait3A_52] : memref<10000x128xf32, #tpu.memory_space<hbm>> -> memref<10000x128xf32, #tpu.memory_space<hbm>>
      tpu.wait_indirect_dma semaphore(%arg15 : memref<!tpu.dma_semaphore, #tpu.memory_space<semaphore_mem>>) src(%dma_wait3A_53 : memref<10000x128xf32, #tpu.memory_space<hbm>>) dst(%arg12 : memref<192x128xf32, #tpu.memory_space<vmem>>)
      "tpu.region"() ({
        %run_scoped3A = tpu.sem_alloc : memref<!tpu.dma_semaphore, #tpu.memory_space<semaphore_mem>>
        %dma_start3A_54 = arith.constant 0 : i32
        %dma_start3A_55 = arith.constant 0 : i32
        %dma_start3A_56 = tpu.memref_slice %arg13[%dma_start3A_54, %dma_start3A_55] : memref<10000x128xf32, #tpu.memory_space<vmem_shared>> -> memref<10000x128xf32, #tpu.memory_space<vmem_shared>>
        tpu.enqueue_indirect_dma source(%arg12 : memref<192x128xf32, #tpu.memory_space<vmem>>) target(%dma_start3A_56 : memref<10000x128xf32, #tpu.memory_space<vmem_shared>>) offsets(%arg10 : memref<192xi32, #tpu.memory_space<vmem>>) semaphore(%run_scoped3A : memref<!tpu.dma_semaphore, #tpu.memory_space<semaphore_mem>>) {add = true}
        %dma_wait3A_57 = arith.constant 0 : i32
        %dma_wait3A_58 = arith.constant 0 : i32
        %dma_wait3A_59 = tpu.memref_slice %arg13[%dma_wait3A_57, %dma_wait3A_58] : memref<10000x128xf32, #tpu.memory_space<vmem_shared>> -> memref<10000x128xf32, #tpu.memory_space<vmem_shared>>
        tpu.wait_indirect_dma semaphore(%run_scoped3A : memref<!tpu.dma_semaphore, #tpu.memory_space<semaphore_mem>>) src(%arg12 : memref<192x128xf32, #tpu.memory_space<vmem>>) dst(%dma_wait3A_59 : memref<10000x128xf32, #tpu.memory_space<vmem_shared>>)
        tpu.yield
      }) : () -> ()
    }
    %add3A_17 = arith.constant 9808 : i32
    %add3A_18 = arith.addi %mul3A_2, %add3A_17 : i32
    "tpu.region"() ({
      %run_scoped3A = tpu.sem_alloc : memref<!tpu.dma_semaphore, #tpu.memory_space<semaphore_mem>>
      %dma_start3A_32 = tpu.memref_slice %arg3[%add3A_18] : memref<320000xi32, #tpu.memory_space<hbm>> -> memref<192xi32, #tpu.memory_space<hbm>>
      %dma_start3A_33 = tpu.memref_slice %arg3[%add3A_18] : memref<320000xi32, #tpu.memory_space<hbm>> -> memref<192xi32, #tpu.memory_space<hbm>>
      tpu.enqueue_dma source(%dma_start3A_33 : memref<192xi32, #tpu.memory_space<hbm>>) target(%arg7 : memref<192xi32, #tpu.memory_space<vmem>>) target_semaphore(%run_scoped3A : memref<!tpu.dma_semaphore, #tpu.memory_space<semaphore_mem>>)
      %dma_wait3A_34 = tpu.memref_slice %arg3[%add3A_18] : memref<320000xi32, #tpu.memory_space<hbm>> -> memref<192xi32, #tpu.memory_space<hbm>>
      %dma_wait3A_35 = tpu.memref_slice %arg3[%add3A_18] : memref<320000xi32, #tpu.memory_space<hbm>> -> memref<192xi32, #tpu.memory_space<hbm>>
      tpu.wait_dma2 semaphore(%run_scoped3A : memref<!tpu.dma_semaphore, #tpu.memory_space<semaphore_mem>>) src(%dma_wait3A_35 : memref<192xi32, #tpu.memory_space<hbm>>) dst(%arg7 : memref<192xi32, #tpu.memory_space<vmem>>)
      tpu.yield
    }) : () -> ()
    %add3A_19 = arith.constant 176 : i32
    %add3A_20 = arith.addi %add3A_18, %add3A_19 : i32
    "tpu.region"() ({
      %run_scoped3A = tpu.sem_alloc : memref<!tpu.dma_semaphore, #tpu.memory_space<semaphore_mem>>
      %dma_start3A_32 = tpu.memref_slice %arg4[%add3A_20] : memref<320000xi32, #tpu.memory_space<hbm>> -> memref<16xi32, #tpu.memory_space<hbm>>
      %dma_start3A_33 = tpu.memref_slice %arg4[%add3A_20] : memref<320000xi32, #tpu.memory_space<hbm>> -> memref<16xi32, #tpu.memory_space<hbm>>
      tpu.enqueue_dma source(%dma_start3A_33 : memref<16xi32, #tpu.memory_space<hbm>>) target(%arg16 : memref<16xi32, #tpu.memory_space<vmem>>) target_semaphore(%run_scoped3A : memref<!tpu.dma_semaphore, #tpu.memory_space<semaphore_mem>>)
      %dma_wait3A_34 = tpu.memref_slice %arg4[%add3A_20] : memref<320000xi32, #tpu.memory_space<hbm>> -> memref<16xi32, #tpu.memory_space<hbm>>
      %dma_wait3A_35 = tpu.memref_slice %arg4[%add3A_20] : memref<320000xi32, #tpu.memory_space<hbm>> -> memref<16xi32, #tpu.memory_space<hbm>>
      tpu.wait_dma2 semaphore(%run_scoped3A : memref<!tpu.dma_semaphore, #tpu.memory_space<semaphore_mem>>) src(%dma_wait3A_35 : memref<16xi32, #tpu.memory_space<hbm>>) dst(%arg16 : memref<16xi32, #tpu.memory_space<vmem>>)
      tpu.yield
    }) : () -> ()
    %dma_start3A_21 = arith.constant 0 : i32
    %dma_start3A_22 = arith.constant 0 : i32
    %dma_start3A_23 = tpu.memref_slice %arg2[%dma_start3A_21, %dma_start3A_22] : memref<10000x128xf32, #tpu.memory_space<hbm>> -> memref<10000x128xf32, #tpu.memory_space<hbm>>
    tpu.enqueue_indirect_dma source(%dma_start3A_23 : memref<10000x128xf32, #tpu.memory_space<hbm>>) target(%arg11 : memref<192x128xf32, #tpu.memory_space<vmem>>) offsets(%arg7 : memref<192xi32, #tpu.memory_space<vmem>>) semaphore(%arg14 : memref<!tpu.dma_semaphore, #tpu.memory_space<semaphore_mem>>)
    %dma_wait3A = arith.constant 0 : i32
    %dma_wait3A_24 = arith.constant 0 : i32
    %dma_wait3A_25 = tpu.memref_slice %arg2[%dma_wait3A, %dma_wait3A_24] : memref<10000x128xf32, #tpu.memory_space<hbm>> -> memref<10000x128xf32, #tpu.memory_space<hbm>>
    tpu.wait_indirect_dma semaphore(%arg14 : memref<!tpu.dma_semaphore, #tpu.memory_space<semaphore_mem>>) src(%dma_wait3A_25 : memref<10000x128xf32, #tpu.memory_space<hbm>>) dst(%arg11 : memref<192x128xf32, #tpu.memory_space<vmem>>)
    "tpu.region"() ({
      %run_scoped3A = tpu.sem_alloc : memref<!tpu.dma_semaphore, #tpu.memory_space<semaphore_mem>>
      %dma_start3A_32 = arith.constant 176 : i32
      %dma_start3A_33 = arith.constant 0 : i32
      %dma_start3A_34 = tpu.memref_slice %arg11[%dma_start3A_32, %dma_start3A_33] : memref<192x128xf32, #tpu.memory_space<vmem>> -> memref<16x128xf32, #tpu.memory_space<vmem>>
      %dma_start3A_35 = arith.constant 0 : i32
      %dma_start3A_36 = arith.constant 0 : i32
      %dma_start3A_37 = tpu.memref_slice %arg13[%dma_start3A_35, %dma_start3A_36] : memref<10000x128xf32, #tpu.memory_space<vmem_shared>> -> memref<10000x128xf32, #tpu.memory_space<vmem_shared>>
      tpu.enqueue_indirect_dma source(%dma_start3A_34 : memref<16x128xf32, #tpu.memory_space<vmem>>) target(%dma_start3A_37 : memref<10000x128xf32, #tpu.memory_space<vmem_shared>>) offsets(%arg16 : memref<16xi32, #tpu.memory_space<vmem>>) semaphore(%run_scoped3A : memref<!tpu.dma_semaphore, #tpu.memory_space<semaphore_mem>>) {add = true}
      %dma_wait3A_38 = arith.constant 176 : i32
      %dma_wait3A_39 = arith.constant 0 : i32
      %dma_wait3A_40 = tpu.memref_slice %arg11[%dma_wait3A_38, %dma_wait3A_39] : memref<192x128xf32, #tpu.memory_space<vmem>> -> memref<16x128xf32, #tpu.memory_space<vmem>>
      %dma_wait3A_41 = arith.constant 0 : i32
      %dma_wait3A_42 = arith.constant 0 : i32
      %dma_wait3A_43 = tpu.memref_slice %arg13[%dma_wait3A_41, %dma_wait3A_42] : memref<10000x128xf32, #tpu.memory_space<vmem_shared>> -> memref<10000x128xf32, #tpu.memory_space<vmem_shared>>
      tpu.wait_indirect_dma semaphore(%run_scoped3A : memref<!tpu.dma_semaphore, #tpu.memory_space<semaphore_mem>>) src(%dma_wait3A_40 : memref<16x128xf32, #tpu.memory_space<vmem>>) dst(%dma_wait3A_43 : memref<10000x128xf32, #tpu.memory_space<vmem_shared>>)
      tpu.yield
    }) : () -> ()
    %barrier3A_26 = arith.constant 0 : index
    tpu.barrier barrier_id(%barrier3A_26)
    %lt3A_27 = arith.constant 16 : i32
    %lt3A_28 = arith.cmpi slt, %arg1, %lt3A_27 : i32
    %convert_element_type3A_29 = arith.extui %lt3A_28 : i1 to i32
    %cond3A_30 = arith.constant 0 : i32
    %cond3A_31 = arith.cmpi ne, %convert_element_type3A_29, %cond3A_30 : i32
    scf.if %cond3A_31 {
      %mul3A_32 = arith.constant 625 : i32
      %mul3A_33 = arith.muli %arg1, %mul3A_32 : i32
      %mul3A_34 = arith.constant 10000 : i32
      %mul3A_35 = arith.muli %arg0, %mul3A_34 : i32
      %add3A_36 = arith.addi %mul3A_35, %mul3A_33 : i32
      "tpu.region"() ({
        %run_scoped3A = tpu.sem_alloc : memref<!tpu.dma_semaphore, #tpu.memory_space<semaphore_mem>>
        %dma_start3A_37 = arith.constant 0 : i32
        %dma_start3A_38 = tpu.memref_slice %arg6[%add3A_36, %dma_start3A_37] : memref<20000x128xf32, #tpu.memory_space<hbm>> -> memref<625x128xf32, #tpu.memory_space<hbm>>
        %dma_start3A_39 = arith.constant 0 : i32
        %dma_start3A_40 = tpu.memref_slice %arg13[%mul3A_33, %dma_start3A_39] : memref<10000x128xf32, #tpu.memory_space<vmem_shared>> -> memref<625x128xf32, #tpu.memory_space<vmem_shared>>
        tpu.enqueue_dma source(%dma_start3A_40 : memref<625x128xf32, #tpu.memory_space<vmem_shared>>) target(%dma_start3A_38 : memref<625x128xf32, #tpu.memory_space<hbm>>) target_semaphore(%run_scoped3A : memref<!tpu.dma_semaphore, #tpu.memory_space<semaphore_mem>>)
        %dma_wait3A_41 = arith.constant 0 : i32
        %dma_wait3A_42 = tpu.memref_slice %arg6[%add3A_36, %dma_wait3A_41] : memref<20000x128xf32, #tpu.memory_space<hbm>> -> memref<625x128xf32, #tpu.memory_space<hbm>>
        %dma_wait3A_43 = arith.constant 0 : i32
        %dma_wait3A_44 = tpu.memref_slice %arg13[%mul3A_33, %dma_wait3A_43] : memref<10000x128xf32, #tpu.memory_space<vmem_shared>> -> memref<625x128xf32, #tpu.memory_space<vmem_shared>>
        tpu.wait_dma2 semaphore(%run_scoped3A : memref<!tpu.dma_semaphore, #tpu.memory_space<semaphore_mem>>) src(%dma_wait3A_44 : memref<625x128xf32, #tpu.memory_space<vmem_shared>>) dst(%dma_wait3A_42 : memref<625x128xf32, #tpu.memory_space<hbm>>)
        tpu.yield
      }) : () -> ()
    } else {
    }
    return
  }
}

module attributes {stable_mosaic.version = 14 : i64} {
  func.func @body(%arg0: memref<20000x128xf32, #tpu.memory_space<vmem>>, %arg1: memref<32x10000xf32, #tpu.memory_space<vmem>>, %arg2: memref<32x10000xf32, #tpu.memory_space<vmem>>, %arg3: memref<1x128xf32, #tpu.memory_space<vmem>>, %arg4: memref<128x64xf32, #tpu.memory_space<vmem>>, %arg5: memref<10000x64xf32, #tpu.memory_space<vmem>>) attributes {dimension_semantics = [], scalar_prefetch = 0 : i64, scratch_operands = 0 : i64, tpu.core_type = #tpu.core_type<tc>} {
    %get3A = arith.constant 0 : index
    %get3A_0 = arith.constant 0 : index
    %get3A_1 = vector.load %arg0[%get3A, %get3A_0] : memref<20000x128xf32, #tpu.memory_space<vmem>>, vector<20000x128xf32>
    %slice3A = vector.extract_strided_slice %get3A_1 {offsets = [0, 0], sizes = [10000, 128], strides = [1, 1]} : vector<20000x128xf32> to vector<10000x128xf32>
    %slice3A_2 = vector.extract_strided_slice %get3A_1 {offsets = [10000, 0], sizes = [10000, 128], strides = [1, 1]} : vector<20000x128xf32> to vector<10000x128xf32>
    %add3A = arith.addf %slice3A, %slice3A_2 : vector<10000x128xf32>
    %get3A_3 = arith.constant 0 : index
    %get3A_4 = arith.constant 0 : index
    %get3A_5 = vector.load %arg1[%get3A_3, %get3A_4] : memref<32x10000xf32, #tpu.memory_space<vmem>>, vector<32x10000xf32>
    %reduce_sum3A = arith.constant dense<0.000000e+00> : vector<10000xf32>
    %reduce_sum3A_6 = vector.multi_reduction <add>, %get3A_5, %reduce_sum3A [0] : vector<32x10000xf32> to vector<10000xf32>
    %gt3A = arith.constant 0.000000e+00 : f32
    %gt3A_7 = vector.broadcast %gt3A : f32 to vector<10000xf32>
    %gt3A_8 = arith.cmpf ogt, %reduce_sum3A_6, %gt3A_7 : vector<10000xf32>
    %rsqrt3A = math.rsqrt %reduce_sum3A_6 : vector<10000xf32>
    %jit3A = arith.constant 0.000000e+00 : f64
    %convert_element_type3A = arith.truncf %jit3A : f64 to f32
    %broadcast_in_dim3A = vector.broadcast %convert_element_type3A : f32 to vector<10000xf32>
    %select_n3A = arith.select %gt3A_8, %rsqrt3A, %broadcast_in_dim3A : vector<10000xi1>, vector<10000xf32>
    %get3A_9 = arith.constant 0 : index
    %get3A_10 = arith.constant 0 : index
    %get3A_11 = vector.load %arg2[%get3A_9, %get3A_10] : memref<32x10000xf32, #tpu.memory_space<vmem>>, vector<32x10000xf32>
    %reduce_sum3A_12 = arith.constant dense<0.000000e+00> : vector<10000xf32>
    %reduce_sum3A_13 = vector.multi_reduction <add>, %get3A_11, %reduce_sum3A_12 [0] : vector<32x10000xf32> to vector<10000xf32>
    %gt3A_14 = arith.constant 0.000000e+00 : f32
    %gt3A_15 = vector.broadcast %gt3A_14 : f32 to vector<10000xf32>
    %gt3A_16 = arith.cmpf ogt, %reduce_sum3A_13, %gt3A_15 : vector<10000xf32>
    %rsqrt3A_17 = math.rsqrt %reduce_sum3A_13 : vector<10000xf32>
    %jit3A_18 = arith.constant 0.000000e+00 : f64
    %convert_element_type3A_19 = arith.truncf %jit3A_18 : f64 to f32
    %broadcast_in_dim3A_20 = vector.broadcast %convert_element_type3A_19 : f32 to vector<10000xf32>
    %select_n3A_21 = arith.select %gt3A_16, %rsqrt3A_17, %broadcast_in_dim3A_20 : vector<10000xi1>, vector<10000xf32>
    %broadcast_in_dim3A_22 = vector.shape_cast %select_n3A : vector<10000xf32> to vector<10000x1xf32>
    %mul3A = vector.broadcast %broadcast_in_dim3A_22 : vector<10000x1xf32> to vector<10000x128xf32>
    %mul3A_23 = arith.mulf %add3A, %mul3A : vector<10000x128xf32>
    %get3A_24 = arith.constant 0 : index
    %get3A_25 = arith.constant 0 : index
    %get3A_26 = vector.load %arg3[%get3A_24, %get3A_25] : memref<1x128xf32, #tpu.memory_space<vmem>>, vector<1x128xf32>
    %add3A_27 = vector.broadcast %get3A_26 : vector<1x128xf32> to vector<10000x128xf32>
    %add3A_28 = arith.addf %mul3A_23, %add3A_27 : vector<10000x128xf32>
    %max3A = arith.constant 0.000000e+00 : f32
    %max3A_29 = vector.broadcast %max3A : f32 to vector<10000x128xf32>
    %max3A_30 = arith.maximumf %add3A_28, %max3A_29 : vector<10000x128xf32>
    %get3A_31 = arith.constant 0 : index
    %get3A_32 = arith.constant 0 : index
    %get3A_33 = vector.load %arg4[%get3A_31, %get3A_32] : memref<128x64xf32, #tpu.memory_space<vmem>>, vector<128x64xf32>
    %dot_general3A = arith.constant dense<0.000000e+00> : vector<10000x64xf32>
    %dot_general3A_34 = tpu.matmul %max3A_30, %get3A_33, %dot_general3A {dimension_numbers = #tpu.dot_dimension_numbers<[1], [0], [0], [1], [0, 0, 1, 1], [], []>, transpose_lhs_hint = false} : vector<10000x128xf32>, vector<128x64xf32>, vector<10000x64xf32> -> vector<10000x64xf32>
    %broadcast_in_dim3A_35 = vector.shape_cast %select_n3A_21 : vector<10000xf32> to vector<10000x1xf32>
    %mul3A_36 = vector.broadcast %broadcast_in_dim3A_35 : vector<10000x1xf32> to vector<10000x64xf32>
    %mul3A_37 = arith.mulf %dot_general3A_34, %mul3A_36 : vector<10000x64xf32>
    %swap3A = arith.constant 0 : index
    %swap3A_38 = arith.constant 0 : index
    %swap3A_39 = vector.load %arg5[%swap3A, %swap3A_38] : memref<10000x64xf32, #tpu.memory_space<vmem>>, vector<10000x64xf32>
    tpu.vector_store %arg5[%swap3A, %swap3A_38], %mul3A_37 {strides = array<i32>} : memref<10000x64xf32, #tpu.memory_space<vmem>>, vector<10000x64xf32>,
    return
  }
}

module attributes {stable_mosaic.version = 14 : i64} {
  func.func @body(%arg0: memref<10000x128xf32, #tpu.memory_space<vmem>>, %arg1: memref<128x128xf32, #tpu.memory_space<vmem>>, %arg2: memref<32x10000xf32, #tpu.memory_space<vmem>>, %arg3: memref<10000x128xf32, #tpu.memory_space<vmem>>) attributes {dimension_semantics = [], scalar_prefetch = 0 : i64, scratch_operands = 0 : i64, tpu.core_type = #tpu.core_type<tc>} {
    %get3A = arith.constant 0 : index
    %get3A_0 = arith.constant 0 : index
    %get3A_1 = vector.load %arg2[%get3A, %get3A_0] : memref<32x10000xf32, #tpu.memory_space<vmem>>, vector<32x10000xf32>
    %reduce_sum3A = arith.constant dense<0.000000e+00> : vector<10000xf32>
    %reduce_sum3A_2 = vector.multi_reduction <add>, %get3A_1, %reduce_sum3A [0] : vector<32x10000xf32> to vector<10000xf32>
    %gt3A = arith.constant 0.000000e+00 : f32
    %gt3A_3 = vector.broadcast %gt3A : f32 to vector<10000xf32>
    %gt3A_4 = arith.cmpf ogt, %reduce_sum3A_2, %gt3A_3 : vector<10000xf32>
    %rsqrt3A = math.rsqrt %reduce_sum3A_2 : vector<10000xf32>
    %jit3A = arith.constant 0.000000e+00 : f64
    %convert_element_type3A = arith.truncf %jit3A : f64 to f32
    %broadcast_in_dim3A = vector.broadcast %convert_element_type3A : f32 to vector<10000xf32>
    %select_n3A = arith.select %gt3A_4, %rsqrt3A, %broadcast_in_dim3A : vector<10000xi1>, vector<10000xf32>
    %get3A_5 = arith.constant 0 : index
    %get3A_6 = arith.constant 0 : index
    %get3A_7 = vector.load %arg0[%get3A_5, %get3A_6] : memref<10000x128xf32, #tpu.memory_space<vmem>>, vector<10000x128xf32>
    %broadcast_in_dim3A_8 = vector.shape_cast %select_n3A : vector<10000xf32> to vector<10000x1xf32>
    %mul3A = vector.broadcast %broadcast_in_dim3A_8 : vector<10000x1xf32> to vector<10000x128xf32>
    %mul3A_9 = arith.mulf %get3A_7, %mul3A : vector<10000x128xf32>
    %get3A_10 = arith.constant 0 : index
    %get3A_11 = arith.constant 0 : index
    %get3A_12 = vector.load %arg1[%get3A_10, %get3A_11] : memref<128x128xf32, #tpu.memory_space<vmem>>, vector<128x128xf32>
    %dot_general3A = arith.constant dense<0.000000e+00> : vector<10000x128xf32>
    %dot_general3A_13 = tpu.matmul %mul3A_9, %get3A_12, %dot_general3A {dimension_numbers = #tpu.dot_dimension_numbers<[1], [0], [0], [1], [0, 0, 1, 1], [], []>, transpose_lhs_hint = false} : vector<10000x128xf32>, vector<128x128xf32>, vector<10000x128xf32> -> vector<10000x128xf32>
    %swap3A = arith.constant 0 : index
    %swap3A_14 = arith.constant 0 : index
    %swap3A_15 = vector.load %arg3[%swap3A, %swap3A_14] : memref<10000x128xf32, #tpu.memory_space<vmem>>, vector<10000x128xf32>
    tpu.vector_store %arg3[%swap3A, %swap3A_14], %dot_general3A_13 {strides = array<i32>} : memref<10000x128xf32, #tpu.memory_space<vmem>>, vector<10000x128xf32>,
    return
  }
}

module attributes {stable_mosaic.version = 14 : i64} {
  func.func @body(%arg0: memref<20000x64xf32, #tpu.memory_space<vmem>>, %arg1: memref<32x10000xf32, #tpu.memory_space<vmem>>, %arg2: memref<1x64xf32, #tpu.memory_space<vmem>>, %arg3: memref<10000x64xf32, #tpu.memory_space<vmem>>) attributes {dimension_semantics = [], scalar_prefetch = 0 : i64, scratch_operands = 0 : i64, tpu.core_type = #tpu.core_type<tc>} {
    %get3A = arith.constant 0 : index
    %get3A_0 = arith.constant 0 : index
    %get3A_1 = vector.load %arg0[%get3A, %get3A_0] : memref<20000x64xf32, #tpu.memory_space<vmem>>, vector<20000x64xf32>
    %slice3A = vector.extract_strided_slice %get3A_1 {offsets = [0, 0], sizes = [10000, 64], strides = [1, 1]} : vector<20000x64xf32> to vector<10000x64xf32>
    %slice3A_2 = vector.extract_strided_slice %get3A_1 {offsets = [10000, 0], sizes = [10000, 64], strides = [1, 1]} : vector<20000x64xf32> to vector<10000x64xf32>
    %add3A = arith.addf %slice3A, %slice3A_2 : vector<10000x64xf32>
    %get3A_3 = arith.constant 0 : index
    %get3A_4 = arith.constant 0 : index
    %get3A_5 = vector.load %arg1[%get3A_3, %get3A_4] : memref<32x10000xf32, #tpu.memory_space<vmem>>, vector<32x10000xf32>
    %reduce_sum3A = arith.constant dense<0.000000e+00> : vector<10000xf32>
    %reduce_sum3A_6 = vector.multi_reduction <add>, %get3A_5, %reduce_sum3A [0] : vector<32x10000xf32> to vector<10000xf32>
    %gt3A = arith.constant 0.000000e+00 : f32
    %gt3A_7 = vector.broadcast %gt3A : f32 to vector<10000xf32>
    %gt3A_8 = arith.cmpf ogt, %reduce_sum3A_6, %gt3A_7 : vector<10000xf32>
    %rsqrt3A = math.rsqrt %reduce_sum3A_6 : vector<10000xf32>
    %jit3A = arith.constant 0.000000e+00 : f64
    %convert_element_type3A = arith.truncf %jit3A : f64 to f32
    %broadcast_in_dim3A = vector.broadcast %convert_element_type3A : f32 to vector<10000xf32>
    %select_n3A = arith.select %gt3A_8, %rsqrt3A, %broadcast_in_dim3A : vector<10000xi1>, vector<10000xf32>
    %broadcast_in_dim3A_9 = vector.shape_cast %select_n3A : vector<10000xf32> to vector<10000x1xf32>
    %mul3A = vector.broadcast %broadcast_in_dim3A_9 : vector<10000x1xf32> to vector<10000x64xf32>
    %mul3A_10 = arith.mulf %add3A, %mul3A : vector<10000x64xf32>
    %get3A_11 = arith.constant 0 : index
    %get3A_12 = arith.constant 0 : index
    %get3A_13 = vector.load %arg2[%get3A_11, %get3A_12] : memref<1x64xf32, #tpu.memory_space<vmem>>, vector<1x64xf32>
    %add3A_14 = vector.broadcast %get3A_13 : vector<1x64xf32> to vector<10000x64xf32>
    %add3A_15 = arith.addf %mul3A_10, %add3A_14 : vector<10000x64xf32>
    %swap3A = arith.constant 0 : index
    %swap3A_16 = arith.constant 0 : index
    %swap3A_17 = vector.load %arg3[%swap3A, %swap3A_16] : memref<10000x64xf32, #tpu.memory_space<vmem>>, vector<10000x64xf32>
    tpu.vector_store %arg3[%swap3A, %swap3A_16], %add3A_15 {strides = array<i32>} : memref<10000x64xf32, #tpu.memory_space<vmem>>, vector<10000x64xf32>,
    return
  }
}

</mosaic_0001>

<sc_bundles>
// kernel: kernel.11.cloned.1.call-start
scs
__scs_entry_jumppad:
0x0: {  	(pc) =	sbr.rel $0x88, $3  }
0x1: {  	(tag) =	ssettag $0x0;
	lr =	simm.s32 $0x1  }
0x2: {  	[smem:$0x3F9B] =	sst lr;
	_ =	strace $0xD0000000  }
0x3: {  	_ = 	snop  }
0x4: {  	_ = 	snop  }
0x5: {  	_ = 	snop  }
0x6: {  	_ = 	snop  }
0x7: {  	_ = 	snop  }
__scs_overlays_trampoline_lowered:
0x8: {  	[smem:$0x3FAA] =	sst s0  }
0x9: {  	[smem:$0x3FAB] =	sst s1  }
0xa: {  	[smem:$0x3FAC] =	sst s2  }
0xb: {  	[smem:$0x3FAD] =	sst s3  }
0xc: {  	[smem:$0x3FAE] =	sst s4  }
0xd: {  	[smem:$0x3FAF] =	sst s5  }
0xe: {  	[smem:$0x3FB0] =	sst s6  }
0xf: {  	[smem:$0x3FB1] =	sst s7  }
0x10: {  	[smem:$0x3FB2] =	sst s8  }
0x11: {  	[smem:$0x3FB3] =	sst s9;
	s0 =	simm.s32 @!p0 $0x0  }
0x12: {  	s1 =	sld [smem:$0x3F99];
	s0 =	simm.s32 @p0 $0x1  }
0x13: {  	[smem:$0x3FB4] =	sst s0;
	s0 =	simm.s32 @!p1 $0x0  }
0x14: {  	s2 =	sld [smem:$0x3F98];
	s0 =	simm.s32 @p1 $0x1  }
0x15: {  	[smem:$0x3FB5] =	sst s0;
	s0 =	simm.s32 @!p2 $0x0  }
0x16: {  	s3 =	sld [smem:$0x3FDB];
	s0 =	simm.s32 @p2 $0x1  }
0x17: {  	s4 =	simm.s32 $0x1BF5;
	[smem:$0x3FB7] =	sst s0  }
0x18: {  	s0 =	sld [smem:$0x3F9A];
	_ =	swait.ge [sflag:s4], $0x0  }
0x19: {  	s7 =	sld [smem:$0x3F9B]  }
0x1a: {  	s8 =	sadd.s32 $0xFFFFE003, lr  }
0x1b: {  	s9 =	sadd.s32 $0xFFFFFEF7, lr;
	s5 =	simm.s32 $0xFFFFFFFF;
	p2 =	slt.u32 s8, $0xFFFFF086  }
0x1c: {  	p1 =	slt.u32 s9, $0xF7A;
	s5 =	simm.s32 @!p2 $0x0  }
0x1d: {  	s5 =	simm.s32 @p1 $0x1;
	p0 =	seq.s32 s7, s2  }
0x1e: {  	s7 =	smul.u32 @!p0 $0xF7A, s2;
	p2 =	seq.s32 @!p0 s5, $0x0  }
0x1f: {  	s9 =	smul.u32 $0xF7A, s1;
	s8 =	simm.s32 @!p0 $0x1BF5;
	p2 =	por !p2, p0  }
0x20: {  	[sflag:s8] =	ssyncset.s32 @!p0 $0xFFFFF086;
	s6 =	sadd.s32 @!p0 s3, s7;
	s7 =	simm.s32 @!p0 $0x108  }
0x21: {  	s3 =	sadd.s32 s3, s9;
	s6 =	sadd.s32 @!p0 $0x88, s6;
	s7 =	simm.s32 @p2 $0x1082  }
0x22: {  	[simem:s7], [sflag:s8] =	dma.local @!p0 [hbm:s6], $0xF7A  }
0x23: {  	s9 =	sor.u32 $0xD0000000, s2;
	s6 =	simm.s32 $0x108;
	_ =	swait.ge @!p0 [sflag:s8], $0x0  }
0x24: {  	s3 =	sadd.s32 $0x88, s3;
	s6 =	simm.s32 @!p1 $0x1082;
	[sflag:s4] =	ssyncset.s32 $0xFFFFF086  }
0x25: {  	[simem:s6], [sflag:s4] =	dma.local [hbm:s3], $0xF7A  }
0x26: {  	[smem:$0x3F9B] =	sst s1;
	(tag) =	ssettag s2;
	_ =	strace s9  }
0x27: {  	s1 =	sld [smem:$0x3FAB]  }
0x28: {  	s2 =	sld [smem:$0x3FAC]  }
0x29: {  	s4 =	sld [smem:$0x3FAE]  }
0x2a: {  	p0 =	seq.s32 s5, $0x0;
	s5 =	sld [smem:$0x3FAF]  }
0x2b: {  	s6 =	sld [smem:$0x3FB0]  }
0x2c: {  	s7 =	sld [smem:$0x3FB1]  }
0x2d: {  	s3 =	simm.s32 $0x108;
	s8 =	sld [smem:$0x3FB2]  }
0x2e: {  	s3 =	simm.s32 @!p0 $0x1082;
	s9 =	sld [smem:$0x3FB3]  }
0x2f: {  	lr =	sadd.s32 s0, s3;
	s0 =	sld [smem:$0x3FAA]  }
0x30: {  	s3 =	sld [smem:$0x3FAD]  }
0x31: {  	[smem:$0x3FB6] =	sst s10  }
0x32: {  	s10 =	sld [smem:$0x3FB4];
	_ =	sdelay $0x3  }
0x33: {  	p0 =	seq.s32 s10, $0x1;
	s10 =	sld [smem:$0x3FB6];
	_ =	sdelay $0x3  }
0x34: {  	[smem:$0x3FB6] =	sst s10  }
0x35: {  	s10 =	sld [smem:$0x3FB5];
	_ =	sdelay $0x3  }
0x36: {  	p1 =	seq.s32 s10, $0x1;
	s10 =	sld [smem:$0x3FB6];
	_ =	sdelay $0x3  }
0x37: {  	[smem:$0x3FB6] =	sst s10  }
0x38: {  	s10 =	sld [smem:$0x3FB7]  }
0x39: {  	_ = 	snop;
	(pc) =	sbr.ind lr, $3  }
0x3a: {  	_ = 	snop  }
0x3b: {  	_ = 	snop  }
0x3c: {  	p2 =	seq.s32 s10, $0x1;
	s10 =	sld [smem:$0x3FB6]  }
0x3d: {  	_ =	shalt  }
0x3e: {  	_ =	shalt  }
0x3f: {  	_ =	shalt  }
0x40: {  	_ =	shalt  }
0x41: {  	_ =	shalt  }
0x42: {  	_ =	shalt  }
0x43: {  	_ =	shalt  }
0x44: {  	_ =	shalt  }
0x45: {  	_ =	shalt  }
0x46: {  	_ =	shalt  }
0x47: {  	_ =	shalt  }
0x48: {  	_ =	shalt  }
0x49: {  	_ =	shalt  }
0x4a: {  	_ =	shalt  }
0x4b: {  	_ =	shalt  }
0x4c: {  	_ =	shalt  }
0x4d: {  	_ =	shalt  }
0x4e: {  	_ =	shalt  }
0x4f: {  	_ =	shalt  }
0x50: {  	_ =	shalt  }
0x51: {  	_ =	shalt  }
0x52: {  	_ =	shalt  }
0x53: {  	_ =	shalt  }
0x54: {  	_ =	shalt  }
0x55: {  	_ =	shalt  }
0x56: {  	_ =	shalt  }
0x57: {  	_ =	shalt  }
0x58: {  	_ =	shalt  }
0x59: {  	_ =	shalt  }
0x5a: {  	_ =	shalt  }
0x5b: {  	_ =	shalt  }
0x5c: {  	_ =	shalt  }
0x5d: {  	_ =	shalt  }
0x5e: {  	_ =	shalt  }
0x5f: {  	_ =	shalt  }
0x60: {  	_ =	shalt  }
0x61: {  	_ =	shalt  }
0x62: {  	_ =	shalt  }
0x63: {  	_ =	shalt  }
0x64: {  	_ =	shalt  }
0x65: {  	_ =	shalt  }
0x66: {  	_ =	shalt  }
0x67: {  	_ =	shalt  }
0x68: {  	_ =	shalt  }
0x69: {  	_ =	shalt  }
0x6a: {  	_ =	shalt  }
0x6b: {  	_ =	shalt  }
0x6c: {  	_ =	shalt  }
0x6d: {  	_ =	shalt  }
0x6e: {  	_ =	shalt  }
0x6f: {  	_ =	shalt  }
0x70: {  	_ =	shalt  }
0x71: {  	_ =	shalt  }
0x72: {  	_ =	shalt  }
0x73: {  	_ =	shalt  }
0x74: {  	_ =	shalt  }
0x75: {  	_ =	shalt  }
0x76: {  	_ =	shalt  }
0x77: {  	_ =	shalt  }
0x78: {  	_ =	shalt  }
0x79: {  	_ =	shalt  }
0x7a: {  	_ =	shalt  }
0x7b: {  	_ =	shalt  }
0x7c: {  	_ =	shalt  }
0x7d: {  	_ =	shalt  }
0x7e: {  	_ =	shalt  }
0x7f: {  	_ =	shalt  }
0x80: {  	_ =	shalt  }
0x81: {  	_ =	shalt  }
0x82: {  	_ =	shalt  }
0x83: {  	_ =	shalt  }
0x84: {  	_ =	shalt  }
0x85: {  	_ =	shalt  }
0x86: {  	_ =	shalt  }
0x87: {  	_ =	shalt  }
.Lfunc_end0:
.L_simem_size_0:
called_computation.1_lowered:
.L_overlay_start_0:
0x88: {  	s2 =	sld [smem:$0x3FD9]  }
0x89: {  	s3 =	sld [smem:$0x3FFE];
	_ =	sdelay $0x1  }
0x8a: {  	s1 =	srdreg.scid  }
0x8b: {  	s0 =	sand.u32 $0x1, s1  }
0x8c: {  	s17 =	sshll.u32 s0, $0xA;
	s2 =	sadd.s32 s3, s2  }
0x8d: {  	s2 =	sadd.s32 s2, s17  }
0x8e: {  	[smem:$0x3FC2] =	sst s2  }
0x8f: {  	_ = 	snop  }
0x90: {  	s2 =	sld [smem:$0x3FD0];
	(tm) =	ssettm $0x1  }
0x91: {  	s18 =	sld [smem:$0x3FFB];
	_ =	sdelay $0x3  }
0x92: {  	_ =	strace s18  }
0x93: {  	s3 =	sld [smem:$0x3FFC];
	_ =	sdelay $0x3  }
0x94: {  	_ =	strace s3  }
0x95: {  	s3 =	sld [smem:$0x3FFD];
	_ =	sdelay $0x3  }
0x96: {  	_ =	strace s3  }
0x97: {  	_ =	strace $0x8FFFFFFF  }
0x98: {  	s19 =	sld [smem:$0x3FDB];
	_ =	sdelay $0x1  }
0x99: {  	s4 =	simm.s32 $_scs_section_size  }
0x9a: {  	s5 =	simm.s32 $_size__tile_overlayer_lowered;
	s6 =	simm.s32 $_tile_overlayer_lowered  }
0x9b: {  	s22 =	simm.s32 $0x1BFF;
	s21 =	sshll.u32 s6, $0x1;
	s3 =	sadd.s32 s4, s19  }
0x9c: {  	s7 =	simm.s32 $0x0;
	s20 =	sshll.u32 s5, $0x1;
	s5 =	sadd.s32 s21, s3  }
0x9d: {  	[timem:s7], [sflag:s22] =	dma.local [hbm:s5], s20  }
0x9e: {  	_ =	swait.ge [sflag:s22], s20  }
0x9f: {  	s4 =	ssub.s32 $0x0, s20;
	[sflag:s22] =	ssyncset.done $0x0  }
0xa0: {  	[sflag:s22] =	ssyncadd.s32 s4;
	_ =	sdelay $0x1  }
0xa1: {  	s23 =	simm.s32 $0x1B8B  }
0xa2: {  	_ =	swait.ge [sflag:s23], $0x1  }
0xa3: {  	[sflag:s23] =	ssyncset.done $0x0  }
0xa4: {  	s25 =	simm.s32 $0x1B8E;
	s24 =	sld [smem:$0x3FFE];
	[sflag:s23] =	ssyncadd.s32 $0xFFFFFFFF  }
0xa5: {  	s26 =	simm.s32 $execute0_lowered;
	[smem:$0x3FD2] =	sst s25  }
0xa6: {  	s5 =	sshll.u32 s26, $0x1;
	_ =	strace $0x80000049;
	[dreg:$0x1] =	wrdreg $0xFFFFFFFF  }
0xa7: {  	s28 =	simm.s32 $_size_execute0_lowered;
	s3 =	sadd.s32 s3, s5;
	[dreg:$0x0] =	wrdreg $0x0  }
0xa8: {  	s5 =	sshll.u32 s28, $0x1;
	[dreg:$0x2] =	wrdreg s3  }
0xa9: {  	[dreg:$0x3] =	wrdreg s5  }
0xaa: {  	[dreg:$0x4] =	wrdreg $0xC0  }
0xab: {  	_ =	task [dreg:s7], $0x5FFFF  }
0xac: {  	[dreg:$0x1] =	wrdreg $0xFFFFFFFF  }
0xad: {  	[dreg:$0x0] =	wrdreg $0x60  }
0xae: {  	[dreg:$0x2] =	wrdreg s24  }
0xaf: {  	[dreg:$0x3] =	wrdreg s2  }
0xb0: {  	[dreg:$0x4] =	wrdreg $0xC3000  }
0xb1: {  	[dreg:$0x5] =	wrdreg $0x9  }
0xb2: {  	_ =	task.clear_ibuf [dreg:s7], $0x6FFFF;
	_ =	strace $0x90000049  }
0xb3: {  	s29 =	simm.s32 $0x9;
	_ =	strace $0x8000004B  }
0xb4: {  	_ =	swait.ge [sflag:s29], $0x1  }
0xb5: {  	[sflag:s29] =	ssyncadd.s32 $0xFFFFFFFF  }
0xb6: {  	_ =	strace $0x9000004B  }
0xb7: {  	_ =	sfence  }
0xb8: {  	s30 =	sld [smem:$0x0];
	_ =	sdelay $0x2  }
0xb9: {  	s31 =	sshll.u32 s1, $0xD;
	s1 =	sshrl.u32 s1, $0x2  }
0xba: {  	s3 =	sand.u32 $0x4000, s31;
	s1 =	sadd.s32 s1, s30  }
0xbb: {  	s0 =	sor.u32 s3, s0;
	s1 =	sshll.u32 s1, $0x11  }
0xbc: {  	s0 =	sor.u32 s1, s0  }
0xbd: {  	s0 =	sadd.s32 $0x8F2B, s0  }
0xbe: {  	[sflag:s0] =	ssyncadd.remote.s32 $0x1  }
0xbf: {  	_ =	sfence.sel $0xFFFF  }
0xc0: {  	[dreg:$0x0] =	wrdreg $0xFFFFFFFF;
	(pc) =	sbr.abs _section_cstart, $3  }
0xc1: {  	[dreg:$0x1] =	wrdreg $0xFFFFFFFF  }
0xc2: {  	_ =	task.clear_ibuf [dreg:s7], $0x2FFFF;
	_ =	strace $0x9FFFFFFF  }
0xc3: {  	(tm) =	ssettm $0x7FFFFFFF  }
tec
execute0_lowered:
.L_overlay_start_1:
0x0: {  	(tag) =	ssettag $0x1  }
0x1: {  	s0 =	rddreg [dreg:$0x0]  }
0x2: {  	s2 =	rddreg [dreg:$0x2];
	s3 =	simm.s32 $0x0;
	s1 =	srdreg.scid  }
0x3: {  	s12 =	stileid.u32;
	s28 =	simm.s32 $0x1;
	s29 =	simm.s32 $0x2  }
0x4: {  	s30 =	simm.s32 $0x1FB80;
	[smem:$0x7FF] =	sst s3;
	s8 =	smul.u32 $0x2710, s12  }
0x5: {  	s1 =	sand.u32 $0x1, s1;
	s5 =	sadd.s32 $0x1FE00, s0;
	s10 =	smul.u32 $0x4E200, s12  }
0x6: {  	s6 =	sadd.s32 $0xBC00, s0;
	s7 =	sadd.s32 $0x1E00, s0;
	s15 =	smul.u32 $0x4E20, s12  }
0x7: {  	s9 =	sshll.u32 s12, $0x1;
	s22 =	sshll.u32 s12, $0x6;
	s4 =	smul.u32 $0x27100, s1  }
0x8: {  	s19 =	ssub.s32 $0x2, s1;
	s9 =	sor.u32 s1, s9;
	s1 =	smul.u32 $0x2710, s1  }
0x9: {  	_ =	strace $0x8000004A;
	s11 =	sshrl.u32 s19, $0x1;
	s9 =	smul.u32 $0x2710, s9  }
0xa: {  	s10 =	sshrl.u32 s10, $0x2;
	s4 =	sadd.s32 s8, s4;
	s20 =	ssub.s32 s19, s11  }
0xb: {  	s21 =	sadd.s32 s10, s2;
	s10 =	sor.u32 $0x1C03, s22;
	s1 =	sadd.s32 s1, s15  }
0xc: {  	s22 =	simm.s32 $0xC0;
	s0 =	sadd.s32 s4, s0;
	s14 =	sshrl.u32 s9, $0x3  }
0xd: {  	s26 =	sadd.s32 $0xC0, s1;
	s17 =	sadd.s32 $0x180, s1;
	s4 =	simm.s32 $0x0  }
0xe: {  	s8 =	sadd.s32 s6, s14;
	s9 =	sadd.s32 s7, s14;
	s0 =	sadd.s32 $0x47000, s0  }
0xf: {  	s25 =	sadd.s32 $0x4C8, s14;
	s14 =	smax.u32 s20, $0x1;
	s31 =	sshrl.u32 s26, $0x3  }
0x10: {  	s20 =	sshrl.u32 s21, $0x3;
	s21 =	simm.s32 $0x3;
	s26 =	simm.s32 $0x6300  }
0x11: {  	s23 =	sadd.s32 $0x4CA, s8;
	s24 =	sadd.s32 $0x4E0, s9;
	[dreg:$0x6] =	wrdreg s0  }
0x12: {  	s15 =	sadd.s32 s6, s25;
	s16 =	sadd.s32 s7, s25;
	s18 =	sadd.s32 s31, s7  }
0x13: {  	s19 =	sadd.s32 s31, s6;
	s25 =	simm.s32 $0x240;
	[dreg:$0x4] =	wrdreg s23  }
0x14: {  	[dreg:$0x5] =	wrdreg s24;
	s23 =	simm.s32 $0x300;
	s24 =	simm.s32 $0x180  }
.LBB2_1:
0x15: {  	s0 =	rddreg [dreg:$0x1]  }
0x16: {  	[spmem:s20], [sflag:s10] =	dma.local [hbm:s0], $0x2710  }
0x17: {  	_ =	swait.ge [sflag:s21], $0x2710  }
0x18: {  	[sflag:s21] =	ssyncset.done $0x0  }
0x19: {  	[sflag:s21] =	ssyncadd.s32 $0xFFFFD8F0  }
0x1a: {  	[bflag:$0x0] =	sbarrier.arrive $0xFFFF  }
0x1b: {  	[tilespmem:s3], [sflag:$0x3] =	stream.linear.gather [hbm4b:s8+s3], $0xC0, $0x38;
	[tilespmem:$0x1FB90] =	vst v63  }
0x1c: {  	_ =	swait.ge [sflag:s21], $0xC0  }
0x1d: {  	[sflag:s21] =	ssyncset.done $0x0  }
0x1e: {  	[sflag:s21] =	ssyncadd.s32 $0xFFFFFF40  }
0x1f: {  	[tilespmem:s22], [sflag:$0x3] =	stream.linear.gather [hbm4b:s9+s3], $0xC0, $0x38;
	[tilespmem:$0x1FB90] =	vst v63  }
0x20: {  	_ =	swait.ge [sflag:s21], $0xC0  }
0x21: {  	[sflag:s21] =	ssyncset.done $0x0  }
0x22: {  	[sflag:s21] =	ssyncadd.s32 $0xFFFFFF40  }
0x23: {  	[tilespmem:s23], [sflag:$0x1] =	stream.indirect.gather [hbm4b:s5+s22], $0x80, s3, s22, $0xb8;
	[tilespmem:$0x1FB90] =	vst v63  }
0x24: {  	s11 =	sadd.s32 $0x0, s19  }
0x25: {  	[tilespmem:s24], [sflag:$0x3] =	stream.linear.gather [hbm4b:s11+s3], $0xC0, $0x38;
	[tilespmem:$0x1FB90] =	vst v63  }
0x26: {  	_ =	swait.ge [sflag:s21], $0xC0  }
0x27: {  	[sflag:s21] =	ssyncset.done $0x0  }
0x28: {  	s12 =	sadd.s32 $0x0, s18;
	[sflag:s21] =	ssyncadd.s32 $0xFFFFFF40  }
0x29: {  	[tilespmem:s25], [sflag:$0x3] =	stream.linear.gather [hbm4b:s12+s3], $0xC0, $0x38;
	[tilespmem:$0x1FB90] =	vst v63  }
0x2a: {  	_ =	swait.ge [sflag:s21], $0xC0  }
0x2b: {  	[sflag:s21] =	ssyncset.done $0x0  }
0x2c: {  	[sflag:s21] =	ssyncadd.s32 $0xFFFFFF40  }
0x2d: {  	[tilespmem:s26], [sflag:$0x2] =	stream.indirect.gather [hbm4b:s5+s22], $0x80, s24, s22, $0xb8;
	[tilespmem:$0x1FB90] =	vst v63  }
0x2e: {  	_ =	swait.ge [sflag:s28], $0x6000  }
0x2f: {  	[sflag:s28] =	ssyncset.done $0x0  }
0x30: {  	[sflag:s28] =	ssyncadd.s32 $0xFFFFA000  }
0x31: {  	[spmem:s2] =	stream.indirect.scatter.add.f32 [tilespmem:s23], [sflag:$0x3], $0x80, s22, s22, $0xb8;
	[tilespmem:$0x1FB90] =	vst v63  }
0x32: {  	_ =	swait.ge [sflag:s21], $0x6000  }
0x33: {  	s13 =	sshrl.u32 s17, $0x3;
	[sflag:s21] =	ssyncset.done $0x0  }
0x34: {  	s1 =	sadd.s32 s6, s13;
	[sflag:s21] =	ssyncadd.s32 $0xFFFFA000  }
0x35: {  	[tilespmem:s3], [sflag:$0x3] =	stream.linear.gather [hbm4b:s1+s3], $0xC0, $0x38;
	[tilespmem:$0x1FB90] =	vst v63  }
0x36: {  	_ =	swait.ge [sflag:s21], $0xC0  }
0x37: {  	[sflag:s21] =	ssyncset.done $0x0  }
0x38: {  	s0 =	sadd.s32 s7, s13;
	[sflag:s21] =	ssyncadd.s32 $0xFFFFFF40  }
0x39: {  	[tilespmem:s22], [sflag:$0x3] =	stream.linear.gather [hbm4b:s0+s3], $0xC0, $0x38;
	[tilespmem:$0x1FB90] =	vst v63  }
0x3a: {  	_ =	swait.ge [sflag:s21], $0xC0  }
0x3b: {  	[sflag:s21] =	ssyncset.done $0x0  }
0x3c: {  	[sflag:s21] =	ssyncadd.s32 $0xFFFFFF40  }
0x3d: {  	[tilespmem:s23], [sflag:$0x1] =	stream.indirect.gather [hbm4b:s5+s22], $0x80, s3, s22, $0xb8;
	[tilespmem:$0x1FB90] =	vst v63  }
0x3e: {  	_ =	swait.ge [sflag:s29], $0x6000  }
0x3f: {  	[sflag:s29] =	ssyncset.done $0x0  }
0x40: {  	[sflag:s29] =	ssyncadd.s32 $0xFFFFA000  }
0x41: {  	[spmem:s2] =	stream.indirect.scatter.add.f32 [tilespmem:s26], [sflag:$0x3], $0x80, s25, s22, $0xb8;
	[tilespmem:$0x1FB90] =	vst v63  }
0x42: {  	s31 =	simm.s32 $0x30;
	_ =	swait.ge [sflag:s21], $0x6000  }
0x43: {  	s1 =	sadd.s32 $0x180, s17;
	s0 =	simm.s32 $0x60;
	[sflag:s21] =	ssyncset.done $0x0  }
.LBB2_2:
0x44: {  	s12 =	sadd.s32 s31, s19  }
0x45: {  	[sflag:s21] =	ssyncadd.s32 $0xFFFFA000;
	s13 =	smov.u32 s0;
	s11 =	sadd.s32 $0x30, s0  }
0x46: {  	[tilespmem:s24], [sflag:$0x3] =	stream.linear.gather [hbm4b:s12+s3], $0xC0, $0x38;
	[tilespmem:$0x1FB90] =	vst v63  }
0x47: {  	p0 =	sne.s32 s0, $0x480;
	_ =	swait.ge [sflag:s21], $0xC0  }
0x48: {  	[sflag:s21] =	ssyncset.done $0x0  }
0x49: {  	s0 =	sadd.s32 s31, s18;
	s31 =	smov.u32 s13;
	[sflag:s21] =	ssyncadd.s32 $0xFFFFFF40  }
0x4a: {  	[tilespmem:s25], [sflag:$0x3] =	stream.linear.gather [hbm4b:s0+s3], $0xC0, $0x38;
	[tilespmem:$0x1FB90] =	vst v63  }
0x4b: {  	_ =	swait.ge [sflag:s21], $0xC0  }
0x4c: {  	[sflag:s21] =	ssyncset.done $0x0  }
0x4d: {  	[sflag:s21] =	ssyncadd.s32 $0xFFFFFF40  }
0x4e: {  	[tilespmem:s26], [sflag:$0x2] =	stream.indirect.gather [hbm4b:s5+s22], $0x80, s24, s22, $0xb8;
	[tilespmem:$0x1FB90] =	vst v63  }
0x4f: {  	_ =	swait.ge [sflag:s28], $0x6000  }
0x50: {  	[sflag:s28] =	ssyncset.done $0x0  }
0x51: {  	[sflag:s28] =	ssyncadd.s32 $0xFFFFA000  }
0x52: {  	[spmem:s2] =	stream.indirect.scatter.add.f32 [tilespmem:s23], [sflag:$0x3], $0x80, s22, s22, $0xb8;
	[tilespmem:$0x1FB90] =	vst v63  }
0x53: {  	_ =	swait.ge [sflag:s21], $0x6000  }
0x54: {  	s0 =	sshrl.u32 s1, $0x3;
	[sflag:s21] =	ssyncset.done $0x0  }
0x55: {  	s12 =	sadd.s32 s6, s0;
	[sflag:s21] =	ssyncadd.s32 $0xFFFFA000  }
0x56: {  	[tilespmem:s3], [sflag:$0x3] =	stream.linear.gather [hbm4b:s12+s3], $0xC0, $0x38;
	[tilespmem:$0x1FB90] =	vst v63  }
0x57: {  	_ =	swait.ge [sflag:s21], $0xC0  }
0x58: {  	[sflag:s21] =	ssyncset.done $0x0  }
0x59: {  	s0 =	sadd.s32 s7, s0;
	[sflag:s21] =	ssyncadd.s32 $0xFFFFFF40  }
0x5a: {  	[tilespmem:s22], [sflag:$0x3] =	stream.linear.gather [hbm4b:s0+s3], $0xC0, $0x38;
	[tilespmem:$0x1FB90] =	vst v63  }
0x5b: {  	_ =	swait.ge [sflag:s21], $0xC0  }
0x5c: {  	[sflag:s21] =	ssyncset.done $0x0  }
0x5d: {  	[sflag:s21] =	ssyncadd.s32 $0xFFFFFF40  }
0x5e: {  	[tilespmem:s23], [sflag:$0x1] =	stream.indirect.gather [hbm4b:s5+s22], $0x80, s3, s22, $0xb8;
	[tilespmem:$0x1FB90] =	vst v63  }
0x5f: {  	_ =	swait.ge [sflag:s29], $0x6000  }
.Ltmp0:
0x60: {  	[sflag:s29] =	ssyncset.done $0x0;
	(pc) =	sbr.rel @p0 .LBB2_2-.Ltmp0, $4  }
0x61: {  	[sflag:s29] =	ssyncadd.s32 $0xFFFFA000  }
0x62: {  	[spmem:s2] =	stream.indirect.scatter.add.f32 [tilespmem:s26], [sflag:$0x3], $0x80, s25, s22, $0xb8;
	[tilespmem:$0x1FB90] =	vst v63  }
0x63: {  	_ =	swait.ge [sflag:s21], $0x6000  }
0x64: {  	s1 =	sadd.s32 $0x180, s1;
	s0 =	smov.u32 s11;
	[sflag:s21] =	ssyncset.done $0x0  }
0x65: {  	s0 =	sadd.s32 s31, s19;
	[sflag:s21] =	ssyncadd.s32 $0xFFFFA000  }
0x66: {  	[tilespmem:s24], [sflag:$0x3] =	stream.linear.gather [hbm4b:s0+s3], $0xC0, $0x38;
	[tilespmem:$0x1FB90] =	vst v63  }
0x67: {  	_ =	swait.ge [sflag:s21], $0xC0  }
0x68: {  	[sflag:s21] =	ssyncset.done $0x0  }
0x69: {  	s13 =	sadd.s32 s31, s18;
	[sflag:s21] =	ssyncadd.s32 $0xFFFFFF40  }
0x6a: {  	[tilespmem:s25], [sflag:$0x3] =	stream.linear.gather [hbm4b:s13+s3], $0xC0, $0x38;
	[tilespmem:$0x1FB90] =	vst v63  }
0x6b: {  	_ =	swait.ge [sflag:s21], $0xC0  }
0x6c: {  	[sflag:s21] =	ssyncset.done $0x0  }
0x6d: {  	[sflag:s21] =	ssyncadd.s32 $0xFFFFFF40  }
0x6e: {  	[tilespmem:s26], [sflag:$0x2] =	stream.indirect.gather [hbm4b:s5+s22], $0x80, s24, s22, $0xb8;
	[tilespmem:$0x1FB90] =	vst v63  }
0x6f: {  	_ =	swait.ge [sflag:s28], $0x6000  }
0x70: {  	[sflag:s28] =	ssyncset.done $0x0  }
0x71: {  	[sflag:s28] =	ssyncadd.s32 $0xFFFFA000  }
0x72: {  	[spmem:s2] =	stream.indirect.scatter.add.f32 [tilespmem:s23], [sflag:$0x3], $0x80, s22, s22, $0xb8;
	[tilespmem:$0x1FB90] =	vst v63  }
0x73: {  	_ =	swait.ge [sflag:s21], $0x6000  }
0x74: {  	s31 =	sshrl.u32 s1, $0x3;
	[sflag:s21] =	ssyncset.done $0x0  }
0x75: {  	s1 =	sadd.s32 s6, s31;
	[sflag:s21] =	ssyncadd.s32 $0xFFFFA000  }
0x76: {  	[tilespmem:s3], [sflag:$0x3] =	stream.linear.gather [hbm4b:s1+s3], $0xC0, $0x38;
	[tilespmem:$0x1FB90] =	vst v63  }
0x77: {  	_ =	swait.ge [sflag:s21], $0xC0  }
0x78: {  	[sflag:s21] =	ssyncset.done $0x0  }
0x79: {  	s0 =	sadd.s32 s7, s31;
	[sflag:s21] =	ssyncadd.s32 $0xFFFFFF40  }
0x7a: {  	[tilespmem:s22], [sflag:$0x3] =	stream.linear.gather [hbm4b:s0+s3], $0xC0, $0x38;
	[tilespmem:$0x1FB90] =	vst v63  }
0x7b: {  	_ =	swait.ge [sflag:s21], $0xC0  }
0x7c: {  	[sflag:s21] =	ssyncset.done $0x0  }
0x7d: {  	[sflag:s21] =	ssyncadd.s32 $0xFFFFFF40  }
0x7e: {  	[tilespmem:s23], [sflag:$0x1] =	stream.indirect.gather [hbm4b:s5+s22], $0x80, s3, s22, $0xb8;
	[tilespmem:$0x1FB90] =	vst v63  }
0x7f: {  	_ =	swait.ge [sflag:s29], $0x6000  }
0x80: {  	[sflag:s29] =	ssyncset.done $0x0  }
0x81: {  	[sflag:s29] =	ssyncadd.s32 $0xFFFFA000  }
0x82: {  	[spmem:s2] =	stream.indirect.scatter.add.f32 [tilespmem:s26], [sflag:$0x3], $0x80, s25, s22, $0xb8;
	[tilespmem:$0x1FB90] =	vst v63  }
0x83: {  	_ =	swait.ge [sflag:s21], $0x6000  }
0x84: {  	[sflag:s21] =	ssyncset.done $0x0  }
0x85: {  	[sflag:s21] =	ssyncadd.s32 $0xFFFFA000  }
0x86: {  	[tilespmem:s24], [sflag:$0x3] =	stream.linear.gather [hbm4b:s15+s3], $0xC0, $0x38;
	[tilespmem:$0x1FB90] =	vst v63  }
0x87: {  	_ =	swait.ge [sflag:s21], $0xC0  }
0x88: {  	[sflag:s21] =	ssyncset.done $0x0  }
0x89: {  	[sflag:s21] =	ssyncadd.s32 $0xFFFFFF40  }
0x8a: {  	[tilespmem:s25], [sflag:$0x3] =	stream.linear.gather [hbm4b:s16+s3], $0xC0, $0x38;
	[tilespmem:$0x1FB90] =	vst v63  }
0x8b: {  	_ =	swait.ge [sflag:s21], $0xC0  }
0x8c: {  	[sflag:s21] =	ssyncset.done $0x0  }
0x8d: {  	[sflag:s21] =	ssyncadd.s32 $0xFFFFFF40  }
0x8e: {  	[tilespmem:s26], [sflag:$0x2] =	stream.indirect.gather [hbm4b:s5+s22], $0x80, s24, s22, $0xb8;
	[tilespmem:$0x1FB90] =	vst v63  }
0x8f: {  	_ =	swait.ge [sflag:s28], $0x6000  }
0x90: {  	[sflag:s28] =	ssyncset.done $0x0  }
0x91: {  	[sflag:s28] =	ssyncadd.s32 $0xFFFFA000  }
0x92: {  	[spmem:s2] =	stream.indirect.scatter.add.f32 [tilespmem:s23], [sflag:$0x3], $0x80, s22, s22, $0xb8;
	[tilespmem:$0x1FB90] =	vst v63  }
0x93: {  	_ =	swait.ge [sflag:s21], $0x6000  }
0x94: {  	[sflag:s21] =	ssyncset.done $0x0  }
0x95: {  	[sflag:s21] =	ssyncadd.s32 $0xFFFFA000  }
0x96: {  	_ =	swait.ge [sflag:s29], $0x6000  }
0x97: {  	[sflag:s29] =	ssyncset.done $0x0  }
0x98: {  	[sflag:s29] =	ssyncadd.s32 $0xFFFFA000  }
0x99: {  	[spmem:s2] =	stream.indirect.scatter.add.f32 [tilespmem:s26], [sflag:$0x3], $0x80, s25, s22, $0xb8;
	[tilespmem:$0x1FB90] =	vst v63  }
0x9a: {  	_ =	swait.ge [sflag:s21], $0x6000  }
0x9b: {  	[sflag:s21] =	ssyncset.done $0x0  }
0x9c: {  	s1 =	rddreg [dreg:$0x4];
	[sflag:s21] =	ssyncadd.s32 $0xFFFFA000  }
0x9d: {  	[tilespmem:s3], [sflag:$0x3] =	stream.linear.gather [hbm4b:s1+s3], $0xC0, $0x38;
	[tilespmem:$0x1FB90] =	vst v63  }
0x9e: {  	_ =	swait.ge [sflag:s21], $0xC0  }
0x9f: {  	[sflag:s21] =	ssyncset.done $0x0  }
0xa0: {  	s11 =	rddreg [dreg:$0x5];
	[sflag:s21] =	ssyncadd.s32 $0xFFFFFF40  }
0xa1: {  	[tilespmem:s30], [sflag:$0x3] =	stream.linear.gather [hbm4b:s11+s3], $0x10, $0x38;
	[tilespmem:$0x1FB90] =	vst v63  }
0xa2: {  	_ =	swait.ge [sflag:s21], $0x10  }
0xa3: {  	[sflag:s21] =	ssyncset.done $0x0  }
0xa4: {  	[sflag:s21] =	ssyncadd.s32 $0xFFFFFFF0  }
0xa5: {  	[tilespmem:s23], [sflag:$0x1] =	stream.indirect.gather [hbm4b:s5+s22], $0x80, s3, s22, $0xb8;
	[tilespmem:$0x1FB90] =	vst v63  }
0xa6: {  	_ =	swait.ge [sflag:s28], $0x6000  }
0xa7: {  	[sflag:s28] =	ssyncset.done $0x0  }
0xa8: {  	s12 =	simm.s32 $0x10;
	s13 =	simm.s32 $0x5B00;
	[sflag:s28] =	ssyncadd.s32 $0xFFFFA000  }
0xa9: {  	[spmem:s2] =	stream.indirect.scatter.add.f32 [tilespmem:s13], [sflag:$0x3], $0x80, s30, s12, $0xb8;
	[tilespmem:$0x1FB90] =	vst v63  }
0xaa: {  	_ =	swait.ge [sflag:s21], $0x800  }
0xab: {  	[sflag:s21] =	ssyncset.done $0x0  }
0xac: {  	s4 =	sadd.s32 $0x1, s4;
	[sflag:s21] =	ssyncadd.s32 $0xFFFFF800  }
0xad: {  	p0 =	sne.s32 s4, s14;
	[bflag:$0x0] =	sbarrier.arrive $0xFFFF  }
.Ltmp1:
0xae: {  	s31 =	rddreg [dreg:$0x6];
	(pc) =	sbr.rel @p0 .LBB2_1-.Ltmp1, $4  }
0xaf: {  	[hbm:s31], [sflag:s10] =	dma.local [spmem:s20], $0x2710  }
0xb0: {  	_ =	swait.ge [sflag:s21], $0x2710  }
0xb1: {  	[sflag:s21] =	ssyncset.done $0x0  }
0xb2: {  	[sflag:s21] =	ssyncadd.s32 $0xFFFFD8F0  }
0xb3: {  	_ =	sfence.sel $0x180000  }
0xb4: {  	[bflag:$0x0] =	sbarrier.arrive $0xFFFF  }
0xb5: {  	_ =	strace $0x9000004A  }
0xb6: {  	s0 =	stileid.u32;
	[bflag:$0x2] =	sbarrier.arrive $0xFFFF  }
0xb7: {  	p0 =	sne.s32 s0, $0x0;
	s0 =	rddreg [dreg:$0x3]  }
0xb8: {  	s0 =	sadd.s32 @!p0 $0x100000, s0  }
0xb9: {  	[sflag:s0] =	ssyncadd.tile.s32 @!p0 $0x1;
	_ =	shalt  }
.Lfunc_end2:
_tile_overlayer_lowered:
.L_overlay_start_2:
0xba: {  	(tag) =	ssettag $0x2  }
0xbb: {  	s0 =	rddreg [dreg:$0x0];
	s2 =	stileid.u32  }
0xbc: {  	s1 =	rddreg [dreg:$0x1];
	p0 =	sne.s32 s2, $0x0  }
0xbd: {  	s3 =	rddreg [dreg:$0x2];
	[bflag:$0x3] =	sbarrier.arrive $0xFFFF;
	s2 =	simm.s32 @!p0 $0x1C03  }
0xbe: {  	[timem:s3], [sflag:s2] =	dma.local @!p0 [hbm:s0], s1  }
0xbf: {  	s0 =	simm.s32 @!p0 $0x3  }
0xc0: {  	_ =	swait.ge @!p0 [sflag:s0], s1  }
0xc1: {  	s1 =	ssub.s32 @!p0 $0x0, s1;
	[sflag:s0] =	ssyncset.done @!p0 $0x0  }
0xc2: {  	[sflag:s0] =	ssyncadd.s32 @!p0 s1  }
0xc3: {  	[bflag:$0x3] =	sbarrier.arrive $0xFFFF  }
0xc4: {  	_ =	shalt  }

// kernel: kernel.14.cloned.1.call-start
scs
__scs_entry_jumppad:
0x0: {  	(pc) =	sbr.rel $0x88, $3  }
0x1: {  	(tag) =	ssettag $0x0;
	lr =	simm.s32 $0x1  }
0x2: {  	[smem:$0x3F9B] =	sst lr;
	_ =	strace $0xD0000000  }
0x3: {  	_ = 	snop  }
0x4: {  	_ = 	snop  }
0x5: {  	_ = 	snop  }
0x6: {  	_ = 	snop  }
0x7: {  	_ = 	snop  }
__scs_overlays_trampoline_lowered:
0x8: {  	[smem:$0x3FAA] =	sst s0  }
0x9: {  	[smem:$0x3FAB] =	sst s1  }
0xa: {  	[smem:$0x3FAC] =	sst s2  }
0xb: {  	[smem:$0x3FAD] =	sst s3  }
0xc: {  	[smem:$0x3FAE] =	sst s4  }
0xd: {  	[smem:$0x3FAF] =	sst s5  }
0xe: {  	[smem:$0x3FB0] =	sst s6  }
0xf: {  	[smem:$0x3FB1] =	sst s7  }
0x10: {  	[smem:$0x3FB2] =	sst s8  }
0x11: {  	[smem:$0x3FB3] =	sst s9;
	s0 =	simm.s32 @!p0 $0x0  }
0x12: {  	s1 =	sld [smem:$0x3F99];
	s0 =	simm.s32 @p0 $0x1  }
0x13: {  	[smem:$0x3FB4] =	sst s0;
	s0 =	simm.s32 @!p1 $0x0  }
0x14: {  	s2 =	sld [smem:$0x3F98];
	s0 =	simm.s32 @p1 $0x1  }
0x15: {  	[smem:$0x3FB5] =	sst s0;
	s0 =	simm.s32 @!p2 $0x0  }
0x16: {  	s3 =	sld [smem:$0x3FDB];
	s0 =	simm.s32 @p2 $0x1  }
0x17: {  	s4 =	simm.s32 $0x1BF5;
	[smem:$0x3FB7] =	sst s0  }
0x18: {  	s0 =	sld [smem:$0x3F9A];
	_ =	swait.ge [sflag:s4], $0x0  }
0x19: {  	s7 =	sld [smem:$0x3F9B]  }
0x1a: {  	s8 =	sadd.s32 $0xFFFFE003, lr  }
0x1b: {  	s9 =	sadd.s32 $0xFFFFFEF7, lr;
	s5 =	simm.s32 $0xFFFFFFFF;
	p2 =	slt.u32 s8, $0xFFFFF086  }
0x1c: {  	p1 =	slt.u32 s9, $0xF7A;
	s5 =	simm.s32 @!p2 $0x0  }
0x1d: {  	s5 =	simm.s32 @p1 $0x1;
	p0 =	seq.s32 s7, s2  }
0x1e: {  	s7 =	smul.u32 @!p0 $0xF7A, s2;
	p2 =	seq.s32 @!p0 s5, $0x0  }
0x1f: {  	s9 =	smul.u32 $0xF7A, s1;
	s8 =	simm.s32 @!p0 $0x1BF5;
	p2 =	por !p2, p0  }
0x20: {  	[sflag:s8] =	ssyncset.s32 @!p0 $0xFFFFF086;
	s6 =	sadd.s32 @!p0 s3, s7;
	s7 =	simm.s32 @!p0 $0x108  }
0x21: {  	s3 =	sadd.s32 s3, s9;
	s6 =	sadd.s32 @!p0 $0x88, s6;
	s7 =	simm.s32 @p2 $0x1082  }
0x22: {  	[simem:s7], [sflag:s8] =	dma.local @!p0 [hbm:s6], $0xF7A  }
0x23: {  	s9 =	sor.u32 $0xD0000000, s2;
	s6 =	simm.s32 $0x108;
	_ =	swait.ge @!p0 [sflag:s8], $0x0  }
0x24: {  	s3 =	sadd.s32 $0x88, s3;
	s6 =	simm.s32 @!p1 $0x1082;
	[sflag:s4] =	ssyncset.s32 $0xFFFFF086  }
0x25: {  	[simem:s6], [sflag:s4] =	dma.local [hbm:s3], $0xF7A  }
0x26: {  	[smem:$0x3F9B] =	sst s1;
	(tag) =	ssettag s2;
	_ =	strace s9  }
0x27: {  	s1 =	sld [smem:$0x3FAB]  }
0x28: {  	s2 =	sld [smem:$0x3FAC]  }
0x29: {  	s4 =	sld [smem:$0x3FAE]  }
0x2a: {  	p0 =	seq.s32 s5, $0x0;
	s5 =	sld [smem:$0x3FAF]  }
0x2b: {  	s6 =	sld [smem:$0x3FB0]  }
0x2c: {  	s7 =	sld [smem:$0x3FB1]  }
0x2d: {  	s3 =	simm.s32 $0x108;
	s8 =	sld [smem:$0x3FB2]  }
0x2e: {  	s3 =	simm.s32 @!p0 $0x1082;
	s9 =	sld [smem:$0x3FB3]  }
0x2f: {  	lr =	sadd.s32 s0, s3;
	s0 =	sld [smem:$0x3FAA]  }
0x30: {  	s3 =	sld [smem:$0x3FAD]  }
0x31: {  	[smem:$0x3FB6] =	sst s10  }
0x32: {  	s10 =	sld [smem:$0x3FB4];
	_ =	sdelay $0x3  }
0x33: {  	p0 =	seq.s32 s10, $0x1;
	s10 =	sld [smem:$0x3FB6];
	_ =	sdelay $0x3  }
0x34: {  	[smem:$0x3FB6] =	sst s10  }
0x35: {  	s10 =	sld [smem:$0x3FB5];
	_ =	sdelay $0x3  }
0x36: {  	p1 =	seq.s32 s10, $0x1;
	s10 =	sld [smem:$0x3FB6];
	_ =	sdelay $0x3  }
0x37: {  	[smem:$0x3FB6] =	sst s10  }
0x38: {  	s10 =	sld [smem:$0x3FB7]  }
0x39: {  	_ = 	snop;
	(pc) =	sbr.ind lr, $3  }
0x3a: {  	_ = 	snop  }
0x3b: {  	_ = 	snop  }
0x3c: {  	p2 =	seq.s32 s10, $0x1;
	s10 =	sld [smem:$0x3FB6]  }
0x3d: {  	_ =	shalt  }
0x3e: {  	_ =	shalt  }
0x3f: {  	_ =	shalt  }
0x40: {  	_ =	shalt  }
0x41: {  	_ =	shalt  }
0x42: {  	_ =	shalt  }
0x43: {  	_ =	shalt  }
0x44: {  	_ =	shalt  }
0x45: {  	_ =	shalt  }
0x46: {  	_ =	shalt  }
0x47: {  	_ =	shalt  }
0x48: {  	_ =	shalt  }
0x49: {  	_ =	shalt  }
0x4a: {  	_ =	shalt  }
0x4b: {  	_ =	shalt  }
0x4c: {  	_ =	shalt  }
0x4d: {  	_ =	shalt  }
0x4e: {  	_ =	shalt  }
0x4f: {  	_ =	shalt  }
0x50: {  	_ =	shalt  }
0x51: {  	_ =	shalt  }
0x52: {  	_ =	shalt  }
0x53: {  	_ =	shalt  }
0x54: {  	_ =	shalt  }
0x55: {  	_ =	shalt  }
0x56: {  	_ =	shalt  }
0x57: {  	_ =	shalt  }
0x58: {  	_ =	shalt  }
0x59: {  	_ =	shalt  }
0x5a: {  	_ =	shalt  }
0x5b: {  	_ =	shalt  }
0x5c: {  	_ =	shalt  }
0x5d: {  	_ =	shalt  }
0x5e: {  	_ =	shalt  }
0x5f: {  	_ =	shalt  }
0x60: {  	_ =	shalt  }
0x61: {  	_ =	shalt  }
0x62: {  	_ =	shalt  }
0x63: {  	_ =	shalt  }
0x64: {  	_ =	shalt  }
0x65: {  	_ =	shalt  }
0x66: {  	_ =	shalt  }
0x67: {  	_ =	shalt  }
0x68: {  	_ =	shalt  }
0x69: {  	_ =	shalt  }
0x6a: {  	_ =	shalt  }
0x6b: {  	_ =	shalt  }
0x6c: {  	_ =	shalt  }
0x6d: {  	_ =	shalt  }
0x6e: {  	_ =	shalt  }
0x6f: {  	_ =	shalt  }
0x70: {  	_ =	shalt  }
0x71: {  	_ =	shalt  }
0x72: {  	_ =	shalt  }
0x73: {  	_ =	shalt  }
0x74: {  	_ =	shalt  }
0x75: {  	_ =	shalt  }
0x76: {  	_ =	shalt  }
0x77: {  	_ =	shalt  }
0x78: {  	_ =	shalt  }
0x79: {  	_ =	shalt  }
0x7a: {  	_ =	shalt  }
0x7b: {  	_ =	shalt  }
0x7c: {  	_ =	shalt  }
0x7d: {  	_ =	shalt  }
0x7e: {  	_ =	shalt  }
0x7f: {  	_ =	shalt  }
0x80: {  	_ =	shalt  }
0x81: {  	_ =	shalt  }
0x82: {  	_ =	shalt  }
0x83: {  	_ =	shalt  }
0x84: {  	_ =	shalt  }
0x85: {  	_ =	shalt  }
0x86: {  	_ =	shalt  }
0x87: {  	_ =	shalt  }
.Lfunc_end0:
.L_simem_size_0:
called_computation.2_lowered:
.L_overlay_start_0:
0x88: {  	s2 =	sld [smem:$0x3FD9]  }
0x89: {  	s3 =	sld [smem:$0x3FFE];
	_ =	sdelay $0x1  }
0x8a: {  	s1 =	srdreg.scid  }
0x8b: {  	s0 =	sand.u32 $0x1, s1  }
0x8c: {  	s17 =	sshll.u32 s0, $0xA;
	s2 =	sadd.s32 s3, s2  }
0x8d: {  	s2 =	sadd.s32 s2, s17  }
0x8e: {  	[smem:$0x3FC2] =	sst s2  }
0x8f: {  	_ = 	snop  }
0x90: {  	s2 =	sld [smem:$0x3FD0];
	(tm) =	ssettm $0x1  }
0x91: {  	s18 =	sld [smem:$0x3FFB];
	_ =	sdelay $0x3  }
0x92: {  	_ =	strace s18  }
0x93: {  	s3 =	sld [smem:$0x3FFC];
	_ =	sdelay $0x3  }
0x94: {  	_ =	strace s3  }
0x95: {  	s3 =	sld [smem:$0x3FFD];
	_ =	sdelay $0x3  }
0x96: {  	_ =	strace s3  }
0x97: {  	_ =	strace $0x8FFFFFFF  }
0x98: {  	s19 =	sld [smem:$0x3FDB];
	_ =	sdelay $0x1  }
0x99: {  	s4 =	simm.s32 $_scs_section_size  }
0x9a: {  	s5 =	simm.s32 $_size__tile_overlayer_lowered;
	s6 =	simm.s32 $_tile_overlayer_lowered  }
0x9b: {  	s22 =	simm.s32 $0x1BFF;
	s21 =	sshll.u32 s6, $0x1;
	s3 =	sadd.s32 s4, s19  }
0x9c: {  	s7 =	simm.s32 $0x0;
	s20 =	sshll.u32 s5, $0x1;
	s5 =	sadd.s32 s21, s3  }
0x9d: {  	[timem:s7], [sflag:s22] =	dma.local [hbm:s5], s20  }
0x9e: {  	_ =	swait.ge [sflag:s22], s20  }
0x9f: {  	s4 =	ssub.s32 $0x0, s20;
	[sflag:s22] =	ssyncset.done $0x0  }
0xa0: {  	[sflag:s22] =	ssyncadd.s32 s4;
	_ =	sdelay $0x1  }
0xa1: {  	s23 =	simm.s32 $0x1B8B  }
0xa2: {  	_ =	swait.ge [sflag:s23], $0x1  }
0xa3: {  	[sflag:s23] =	ssyncset.done $0x0  }
0xa4: {  	s25 =	simm.s32 $0x1B8E;
	s24 =	sld [smem:$0x3FFE];
	[sflag:s23] =	ssyncadd.s32 $0xFFFFFFFF  }
0xa5: {  	s26 =	simm.s32 $execute0_lowered;
	[smem:$0x3FD2] =	sst s25  }
0xa6: {  	s5 =	sshll.u32 s26, $0x1;
	_ =	strace $0x8000004C;
	[dreg:$0x1] =	wrdreg $0xFFFFFFFF  }
0xa7: {  	s28 =	simm.s32 $_size_execute0_lowered;
	s3 =	sadd.s32 s3, s5;
	[dreg:$0x0] =	wrdreg $0x0  }
0xa8: {  	s5 =	sshll.u32 s28, $0x1;
	[dreg:$0x2] =	wrdreg s3  }
0xa9: {  	[dreg:$0x3] =	wrdreg s5  }
0xaa: {  	[dreg:$0x4] =	wrdreg $0xC0  }
0xab: {  	_ =	task [dreg:s7], $0x5FFFF  }
0xac: {  	[dreg:$0x1] =	wrdreg $0xFFFFFFFF  }
0xad: {  	[dreg:$0x0] =	wrdreg $0x60  }
0xae: {  	[dreg:$0x2] =	wrdreg s2  }
0xaf: {  	[dreg:$0x3] =	wrdreg s24  }
0xb0: {  	[dreg:$0x4] =	wrdreg $0xB1600  }
0xb1: {  	[dreg:$0x5] =	wrdreg $0x9  }
0xb2: {  	_ =	task.clear_ibuf [dreg:s7], $0x6FFFF;
	_ =	strace $0x9000004C  }
0xb3: {  	s29 =	simm.s32 $0x9;
	_ =	strace $0x8000004E  }
0xb4: {  	_ =	swait.ge [sflag:s29], $0x1  }
0xb5: {  	[sflag:s29] =	ssyncadd.s32 $0xFFFFFFFF  }
0xb6: {  	_ =	strace $0x9000004E  }
0xb7: {  	_ =	sfence  }
0xb8: {  	s30 =	sld [smem:$0x0];
	_ =	sdelay $0x2  }
0xb9: {  	s31 =	sshll.u32 s1, $0xD;
	s1 =	sshrl.u32 s1, $0x2  }
0xba: {  	s3 =	sand.u32 $0x4000, s31;
	s1 =	sadd.s32 s1, s30  }
0xbb: {  	s0 =	sor.u32 s3, s0;
	s1 =	sshll.u32 s1, $0x11  }
0xbc: {  	s0 =	sor.u32 s1, s0  }
0xbd: {  	s0 =	sadd.s32 $0x8F2B, s0  }
0xbe: {  	[sflag:s0] =	ssyncadd.remote.s32 $0x1  }
0xbf: {  	_ =	sfence.sel $0xFFFF  }
0xc0: {  	[dreg:$0x0] =	wrdreg $0xFFFFFFFF;
	(pc) =	sbr.abs _section_cstart, $3  }
0xc1: {  	[dreg:$0x1] =	wrdreg $0xFFFFFFFF  }
0xc2: {  	_ =	task.clear_ibuf [dreg:s7], $0x2FFFF;
	_ =	strace $0x9FFFFFFF  }
0xc3: {  	(tm) =	ssettm $0x7FFFFFFF  }
tec
execute0_lowered:
.L_overlay_start_1:
0x0: {  	(tag) =	ssettag $0x1  }
0x1: {  	s1 =	rddreg [dreg:$0x0]  }
0x2: {  	s0 =	rddreg [dreg:$0x1]  }
0x3: {  	s2 =	rddreg [dreg:$0x2];
	s4 =	simm.s32 $0x0  }
0x4: {  	s3 =	srdreg.scid;
	s13 =	stileid.u32;
	s28 =	simm.s32 $0x408  }
0x5: {  	s29 =	simm.s32 $0x5B60;
	s30 =	simm.s32 $0x1;
	s31 =	simm.s32 $0x2  }
0x6: {  	[smem:$0x7FF] =	sst s4;
	s3 =	sand.u32 $0x1, s3;
	s8 =	smul.u32 $0x1388, s13  }
0x7: {  	s6 =	sshll.u32 s13, $0x1;
	s5 =	sadd.s32 $0xBC00, s0;
	s26 =	smul.u32 $0x27100, s13  }
0x8: {  	s12 =	sadd.s32 $0x15A00, s0;
	s16 =	sshll.u32 s13, $0x6;
	_ =	strace $0x8000004D  }
0x9: {  	s7 =	smul.u32 $0x13880, s3;
	s9 =	sor.u32 s3, s6;
	s6 =	sadd.s32 $0x1E00, s0  }
0xa: {  	s10 =	ssub.s32 $0x2, s3;
	[dreg:$0x4] =	wrdreg s12;
	s3 =	smul.u32 $0x2710, s3  }
0xb: {  	s11 =	smul.u32 $0x2710, s9;
	s25 =	sshrl.u32 s10, $0x1;
	s15 =	sshrl.u32 s26, $0x2  }
0xc: {  	s9 =	sor.u32 $0x1C03, s16;
	s7 =	sadd.s32 s8, s7;
	s14 =	ssub.s32 s10, s25  }
0xd: {  	s8 =	sadd.s32 s15, s2;
	s0 =	sadd.s32 s7, s0;
	s17 =	sshrl.u32 s11, $0x3  }
0xe: {  	[dreg:$0x5] =	wrdreg s8;
	s21 =	sadd.s32 $0x25B8, s11;
	s22 =	sadd.s32 $0x26F8, s11  }
0xf: {  	s24 =	sadd.s32 $0x2448, s11;
	s18 =	sadd.s32 $0x4B4, s17;
	s19 =	sadd.s32 s5, s17  }
0x10: {  	s10 =	sadd.s32 s6, s17;
	s17 =	smul.u32 $0x4E20, s13;
	s12 =	sshrl.u32 s22, $0x3  }
0x11: {  	s16 =	sadd.s32 $0x16E00, s0;
	s0 =	sshrl.u32 s24, $0x3;
	[dreg:$0x6] =	wrdreg s19  }
0x12: {  	s24 =	simm.s32 $0x158;
	[dreg:$0x7] =	wrdreg s10;
	s20 =	sadd.s32 s5, s18  }
0x13: {  	s10 =	sshrl.u32 s21, $0x3;
	s8 =	sadd.s32 s6, s18;
	s15 =	sadd.s32 s6, s12  }
0x14: {  	s18 =	sadd.s32 s5, s0;
	s19 =	sadd.s32 s6, s0;
	[dreg:$0x8] =	wrdreg s20  }
0x15: {  	s0 =	simm.s32 $0x14DA0;
	[dreg:$0x9] =	wrdreg s8;
	s23 =	sadd.s32 s5, s10  }
0x16: {  	s3 =	sadd.s32 s3, s17;
	s17 =	smax.u32 s14, $0x1;
	[dreg:$0xa] =	wrdreg s23  }
0x17: {  	s25 =	sadd.s32 $0x158, s3;
	s20 =	sadd.s32 $0x2B0, s3;
	s23 =	simm.s32 $0x3  }
0x18: {  	s3 =	simm.s32 $0x0;
	s26 =	sshrl.u32 s25, $0x3;
	s25 =	simm.s32 $0x560  }
0x19: {  	s21 =	sadd.s32 s26, s6;
	s22 =	sadd.s32 s26, s5;
	s26 =	simm.s32 $0x2B0  }
.LBB2_1:
0x1a: {  	s7 =	rddreg [dreg:$0x5]  }
0x1b: {  	s8 =	rddreg [dreg:$0x4];
	s7 =	sshrl.u32 s7, $0x3  }
0x1c: {  	[spmem:s7], [sflag:s9] =	dma.local [hbm:s8], $0x1388  }
0x1d: {  	_ =	swait.ge [sflag:s23], $0x1388  }
0x1e: {  	[sflag:s23] =	ssyncset.done $0x0  }
0x1f: {  	[sflag:s23] =	ssyncadd.s32 $0xFFFFEC78  }
0x20: {  	[bflag:$0x0] =	sbarrier.arrive $0xFFFF  }
0x21: {  	s10 =	rddreg [dreg:$0x6]  }
0x22: {  	[tilespmem:s4], [sflag:$0x3] =	stream.linear.gather [hbm4b:s10+s4], $0x158, $0x38;
	[tilespmem:$0x14DB8] =	vst v63  }
0x23: {  	_ =	swait.ge [sflag:s23], $0x158  }
0x24: {  	[sflag:s23] =	ssyncset.done $0x0  }
0x25: {  	s11 =	rddreg [dreg:$0x7];
	[sflag:s23] =	ssyncadd.s32 $0xFFFFFEA8  }
0x26: {  	[tilespmem:s24], [sflag:$0x3] =	stream.linear.gather [hbm4b:s11+s4], $0x158, $0x38;
	[tilespmem:$0x14DB8] =	vst v63  }
0x27: {  	_ =	swait.ge [sflag:s23], $0x158  }
0x28: {  	[sflag:s23] =	ssyncset.done $0x0  }
0x29: {  	[sflag:s23] =	ssyncadd.s32 $0xFFFFFEA8  }
0x2a: {  	[tilespmem:s25], [sflag:$0x1] =	stream.indirect.gather [hbm4b:s1+s24], $0x40, s4, s24, $0xb8;
	[tilespmem:$0x14DB8] =	vst v63  }
0x2b: {  	s12 =	sadd.s32 $0x0, s22  }
0x2c: {  	[tilespmem:s26], [sflag:$0x3] =	stream.linear.gather [hbm4b:s12+s4], $0x158, $0x38;
	[tilespmem:$0x14DB8] =	vst v63  }
0x2d: {  	_ =	swait.ge [sflag:s23], $0x158  }
0x2e: {  	[sflag:s23] =	ssyncset.done $0x0  }
0x2f: {  	s13 =	sadd.s32 $0x0, s21;
	[sflag:s23] =	ssyncadd.s32 $0xFFFFFEA8  }
0x30: {  	[tilespmem:s28], [sflag:$0x3] =	stream.linear.gather [hbm4b:s13+s4], $0x158, $0x38;
	[tilespmem:$0x14DB8] =	vst v63  }
0x31: {  	_ =	swait.ge [sflag:s23], $0x158  }
0x32: {  	[sflag:s23] =	ssyncset.done $0x0  }
0x33: {  	[sflag:s23] =	ssyncadd.s32 $0xFFFFFEA8  }
0x34: {  	[tilespmem:s29], [sflag:$0x2] =	stream.indirect.gather [hbm4b:s1+s24], $0x40, s26, s24, $0xb8;
	[tilespmem:$0x14DB8] =	vst v63  }
0x35: {  	_ =	swait.ge [sflag:s30], $0x5600  }
0x36: {  	[sflag:s30] =	ssyncset.done $0x0  }
0x37: {  	[sflag:s30] =	ssyncadd.s32 $0xFFFFAA00  }
0x38: {  	[spmem:s2] =	stream.indirect.scatter.add.f32 [tilespmem:s25], [sflag:$0x3], $0x40, s24, s24, $0xb8;
	[tilespmem:$0x14DB8] =	vst v63  }
0x39: {  	_ =	swait.ge [sflag:s23], $0x5600  }
0x3a: {  	s14 =	sshrl.u32 s20, $0x3;
	[sflag:s23] =	ssyncset.done $0x0  }
0x3b: {  	s10 =	sadd.s32 s5, s14;
	[sflag:s23] =	ssyncadd.s32 $0xFFFFAA00  }
0x3c: {  	[tilespmem:s4], [sflag:$0x3] =	stream.linear.gather [hbm4b:s10+s4], $0x158, $0x38;
	[tilespmem:$0x14DB8] =	vst v63  }
0x3d: {  	_ =	swait.ge [sflag:s23], $0x158  }
0x3e: {  	[sflag:s23] =	ssyncset.done $0x0  }
0x3f: {  	s8 =	sadd.s32 s6, s14;
	[sflag:s23] =	ssyncadd.s32 $0xFFFFFEA8  }
0x40: {  	[tilespmem:s24], [sflag:$0x3] =	stream.linear.gather [hbm4b:s8+s4], $0x158, $0x38;
	[tilespmem:$0x14DB8] =	vst v63  }
0x41: {  	_ =	swait.ge [sflag:s23], $0x158  }
0x42: {  	[sflag:s23] =	ssyncset.done $0x0  }
0x43: {  	[sflag:s23] =	ssyncadd.s32 $0xFFFFFEA8  }
0x44: {  	[tilespmem:s25], [sflag:$0x1] =	stream.indirect.gather [hbm4b:s1+s24], $0x40, s4, s24, $0xb8;
	[tilespmem:$0x14DB8] =	vst v63  }
0x45: {  	_ =	swait.ge [sflag:s31], $0x5600  }
0x46: {  	[sflag:s31] =	ssyncset.done $0x0  }
0x47: {  	[sflag:s31] =	ssyncadd.s32 $0xFFFFAA00  }
0x48: {  	[spmem:s2] =	stream.indirect.scatter.add.f32 [tilespmem:s29], [sflag:$0x3], $0x40, s28, s24, $0xb8;
	[tilespmem:$0x14DB8] =	vst v63  }
0x49: {  	s11 =	simm.s32 $0xAC;
	_ =	swait.ge [sflag:s23], $0x5600  }
0x4a: {  	s10 =	simm.s32 $0x56;
	s8 =	sadd.s32 $0x2B0, s20;
	[sflag:s23] =	ssyncset.done $0x0  }
.LBB2_2:
0x4b: {  	s13 =	sadd.s32 s10, s22  }
0x4c: {  	[sflag:s23] =	ssyncadd.s32 $0xFFFFAA00;
	s14 =	smov.u32 s11;
	s12 =	sadd.s32 $0x56, s11  }
0x4d: {  	[tilespmem:s26], [sflag:$0x3] =	stream.linear.gather [hbm4b:s13+s4], $0x158, $0x38;
	[tilespmem:$0x14DB8] =	vst v63  }
0x4e: {  	p0 =	sne.s32 s11, $0x408;
	_ =	swait.ge [sflag:s23], $0x158  }
0x4f: {  	[sflag:s23] =	ssyncset.done $0x0  }
0x50: {  	s11 =	sadd.s32 s10, s21;
	s10 =	smov.u32 s14;
	[sflag:s23] =	ssyncadd.s32 $0xFFFFFEA8  }
0x51: {  	[tilespmem:s28], [sflag:$0x3] =	stream.linear.gather [hbm4b:s11+s4], $0x158, $0x38;
	[tilespmem:$0x14DB8] =	vst v63  }
0x52: {  	_ =	swait.ge [sflag:s23], $0x158  }
0x53: {  	[sflag:s23] =	ssyncset.done $0x0  }
0x54: {  	[sflag:s23] =	ssyncadd.s32 $0xFFFFFEA8  }
0x55: {  	[tilespmem:s29], [sflag:$0x2] =	stream.indirect.gather [hbm4b:s1+s24], $0x40, s26, s24, $0xb8;
	[tilespmem:$0x14DB8] =	vst v63  }
0x56: {  	_ =	swait.ge [sflag:s30], $0x5600  }
0x57: {  	[sflag:s30] =	ssyncset.done $0x0  }
0x58: {  	[sflag:s30] =	ssyncadd.s32 $0xFFFFAA00  }
0x59: {  	[spmem:s2] =	stream.indirect.scatter.add.f32 [tilespmem:s25], [sflag:$0x3], $0x40, s24, s24, $0xb8;
	[tilespmem:$0x14DB8] =	vst v63  }
0x5a: {  	_ =	swait.ge [sflag:s23], $0x5600  }
0x5b: {  	s11 =	sshrl.u32 s8, $0x3;
	[sflag:s23] =	ssyncset.done $0x0  }
0x5c: {  	s13 =	sadd.s32 s5, s11;
	[sflag:s23] =	ssyncadd.s32 $0xFFFFAA00  }
0x5d: {  	[tilespmem:s4], [sflag:$0x3] =	stream.linear.gather [hbm4b:s13+s4], $0x158, $0x38;
	[tilespmem:$0x14DB8] =	vst v63  }
0x5e: {  	_ =	swait.ge [sflag:s23], $0x158  }
0x5f: {  	[sflag:s23] =	ssyncset.done $0x0  }
0x60: {  	s11 =	sadd.s32 s6, s11;
	[sflag:s23] =	ssyncadd.s32 $0xFFFFFEA8  }
0x61: {  	[tilespmem:s24], [sflag:$0x3] =	stream.linear.gather [hbm4b:s11+s4], $0x158, $0x38;
	[tilespmem:$0x14DB8] =	vst v63  }
0x62: {  	_ =	swait.ge [sflag:s23], $0x158  }
0x63: {  	[sflag:s23] =	ssyncset.done $0x0  }
0x64: {  	[sflag:s23] =	ssyncadd.s32 $0xFFFFFEA8  }
0x65: {  	[tilespmem:s25], [sflag:$0x1] =	stream.indirect.gather [hbm4b:s1+s24], $0x40, s4, s24, $0xb8;
	[tilespmem:$0x14DB8] =	vst v63  }
0x66: {  	_ =	swait.ge [sflag:s31], $0x5600  }
.Ltmp0:
0x67: {  	[sflag:s31] =	ssyncset.done $0x0;
	(pc) =	sbr.rel @p0 .LBB2_2-.Ltmp0, $4  }
0x68: {  	[sflag:s31] =	ssyncadd.s32 $0xFFFFAA00  }
0x69: {  	[spmem:s2] =	stream.indirect.scatter.add.f32 [tilespmem:s29], [sflag:$0x3], $0x40, s28, s24, $0xb8;
	[tilespmem:$0x14DB8] =	vst v63  }
0x6a: {  	_ =	swait.ge [sflag:s23], $0x5600  }
0x6b: {  	s8 =	sadd.s32 $0x2B0, s8;
	s11 =	smov.u32 s12;
	[sflag:s23] =	ssyncset.done $0x0  }
0x6c: {  	s11 =	sadd.s32 s10, s22;
	[sflag:s23] =	ssyncadd.s32 $0xFFFFAA00  }
0x6d: {  	[tilespmem:s26], [sflag:$0x3] =	stream.linear.gather [hbm4b:s11+s4], $0x158, $0x38;
	[tilespmem:$0x14DB8] =	vst v63  }
0x6e: {  	_ =	swait.ge [sflag:s23], $0x158  }
0x6f: {  	[sflag:s23] =	ssyncset.done $0x0  }
0x70: {  	s13 =	sadd.s32 s10, s21;
	[sflag:s23] =	ssyncadd.s32 $0xFFFFFEA8  }
0x71: {  	[tilespmem:s28], [sflag:$0x3] =	stream.linear.gather [hbm4b:s13+s4], $0x158, $0x38;
	[tilespmem:$0x14DB8] =	vst v63  }
0x72: {  	_ =	swait.ge [sflag:s23], $0x158  }
0x73: {  	[sflag:s23] =	ssyncset.done $0x0  }
0x74: {  	[sflag:s23] =	ssyncadd.s32 $0xFFFFFEA8  }
0x75: {  	[tilespmem:s29], [sflag:$0x2] =	stream.indirect.gather [hbm4b:s1+s24], $0x40, s26, s24, $0xb8;
	[tilespmem:$0x14DB8] =	vst v63  }
0x76: {  	_ =	swait.ge [sflag:s30], $0x5600  }
0x77: {  	[sflag:s30] =	ssyncset.done $0x0  }
0x78: {  	[sflag:s30] =	ssyncadd.s32 $0xFFFFAA00  }
0x79: {  	[spmem:s2] =	stream.indirect.scatter.add.f32 [tilespmem:s25], [sflag:$0x3], $0x40, s24, s24, $0xb8;
	[tilespmem:$0x14DB8] =	vst v63  }
0x7a: {  	_ =	swait.ge [sflag:s23], $0x5600  }
0x7b: {  	s8 =	sshrl.u32 s8, $0x3;
	[sflag:s23] =	ssyncset.done $0x0  }
0x7c: {  	s14 =	sadd.s32 s5, s8;
	[sflag:s23] =	ssyncadd.s32 $0xFFFFAA00  }
0x7d: {  	[tilespmem:s4], [sflag:$0x3] =	stream.linear.gather [hbm4b:s14+s4], $0x158, $0x38;
	[tilespmem:$0x14DB8] =	vst v63  }
0x7e: {  	_ =	swait.ge [sflag:s23], $0x158  }
0x7f: {  	[sflag:s23] =	ssyncset.done $0x0  }
0x80: {  	s8 =	sadd.s32 s6, s8;
	[sflag:s23] =	ssyncadd.s32 $0xFFFFFEA8  }
0x81: {  	[tilespmem:s24], [sflag:$0x3] =	stream.linear.gather [hbm4b:s8+s4], $0x158, $0x38;
	[tilespmem:$0x14DB8] =	vst v63  }
0x82: {  	_ =	swait.ge [sflag:s23], $0x158  }
0x83: {  	[sflag:s23] =	ssyncset.done $0x0  }
0x84: {  	[sflag:s23] =	ssyncadd.s32 $0xFFFFFEA8  }
0x85: {  	[tilespmem:s25], [sflag:$0x1] =	stream.indirect.gather [hbm4b:s1+s24], $0x40, s4, s24, $0xb8;
	[tilespmem:$0x14DB8] =	vst v63  }
0x86: {  	_ =	swait.ge [sflag:s31], $0x5600  }
0x87: {  	[sflag:s31] =	ssyncset.done $0x0  }
0x88: {  	[sflag:s31] =	ssyncadd.s32 $0xFFFFAA00  }
0x89: {  	[spmem:s2] =	stream.indirect.scatter.add.f32 [tilespmem:s29], [sflag:$0x3], $0x40, s28, s24, $0xb8;
	[tilespmem:$0x14DB8] =	vst v63  }
0x8a: {  	_ =	swait.ge [sflag:s23], $0x5600  }
0x8b: {  	[sflag:s23] =	ssyncset.done $0x0  }
0x8c: {  	[sflag:s23] =	ssyncadd.s32 $0xFFFFAA00  }
0x8d: {  	[tilespmem:s26], [sflag:$0x3] =	stream.linear.gather [hbm4b:s18+s4], $0x158, $0x38;
	[tilespmem:$0x14DB8] =	vst v63  }
0x8e: {  	_ =	swait.ge [sflag:s23], $0x158  }
0x8f: {  	[sflag:s23] =	ssyncset.done $0x0  }
0x90: {  	[sflag:s23] =	ssyncadd.s32 $0xFFFFFEA8  }
0x91: {  	[tilespmem:s28], [sflag:$0x3] =	stream.linear.gather [hbm4b:s19+s4], $0x158, $0x38;
	[tilespmem:$0x14DB8] =	vst v63  }
0x92: {  	_ =	swait.ge [sflag:s23], $0x158  }
0x93: {  	[sflag:s23] =	ssyncset.done $0x0  }
0x94: {  	[sflag:s23] =	ssyncadd.s32 $0xFFFFFEA8  }
0x95: {  	[tilespmem:s29], [sflag:$0x2] =	stream.indirect.gather [hbm4b:s1+s24], $0x40, s26, s24, $0xb8;
	[tilespmem:$0x14DB8] =	vst v63  }
0x96: {  	_ =	swait.ge [sflag:s30], $0x5600  }
0x97: {  	[sflag:s30] =	ssyncset.done $0x0  }
0x98: {  	[sflag:s30] =	ssyncadd.s32 $0xFFFFAA00  }
0x99: {  	[spmem:s2] =	stream.indirect.scatter.add.f32 [tilespmem:s25], [sflag:$0x3], $0x40, s24, s24, $0xb8;
	[tilespmem:$0x14DB8] =	vst v63  }
0x9a: {  	_ =	swait.ge [sflag:s23], $0x5600  }
0x9b: {  	[sflag:s23] =	ssyncset.done $0x0  }
0x9c: {  	[sflag:s23] =	ssyncadd.s32 $0xFFFFAA00  }
0x9d: {  	_ =	swait.ge [sflag:s31], $0x5600  }
0x9e: {  	[sflag:s31] =	ssyncset.done $0x0  }
0x9f: {  	[sflag:s31] =	ssyncadd.s32 $0xFFFFAA00  }
0xa0: {  	[spmem:s2] =	stream.indirect.scatter.add.f32 [tilespmem:s29], [sflag:$0x3], $0x40, s28, s24, $0xb8;
	[tilespmem:$0x14DB8] =	vst v63  }
0xa1: {  	_ =	swait.ge [sflag:s23], $0x5600  }
0xa2: {  	[sflag:s23] =	ssyncset.done $0x0  }
0xa3: {  	s10 =	rddreg [dreg:$0x8];
	[sflag:s23] =	ssyncadd.s32 $0xFFFFAA00  }
0xa4: {  	[tilespmem:s4], [sflag:$0x3] =	stream.linear.gather [hbm4b:s10+s4], $0x158, $0x38;
	[tilespmem:$0x14DB8] =	vst v63  }
0xa5: {  	_ =	swait.ge [sflag:s23], $0x158  }
0xa6: {  	[sflag:s23] =	ssyncset.done $0x0  }
0xa7: {  	s11 =	rddreg [dreg:$0x9];
	[sflag:s23] =	ssyncadd.s32 $0xFFFFFEA8  }
0xa8: {  	[tilespmem:s24], [sflag:$0x3] =	stream.linear.gather [hbm4b:s11+s4], $0x158, $0x38;
	[tilespmem:$0x14DB8] =	vst v63  }
0xa9: {  	_ =	swait.ge [sflag:s23], $0x158  }
0xaa: {  	[sflag:s23] =	ssyncset.done $0x0  }
0xab: {  	[sflag:s23] =	ssyncadd.s32 $0xFFFFFEA8  }
0xac: {  	[tilespmem:s25], [sflag:$0x1] =	stream.indirect.gather [hbm4b:s1+s24], $0x40, s4, s24, $0xb8;
	[tilespmem:$0x14DB8] =	vst v63  }
0xad: {  	_ =	swait.ge [sflag:s30], $0x5600  }
0xae: {  	[sflag:s30] =	ssyncset.done $0x0  }
0xaf: {  	[sflag:s30] =	ssyncadd.s32 $0xFFFFAA00  }
0xb0: {  	[spmem:s2] =	stream.indirect.scatter.add.f32 [tilespmem:s25], [sflag:$0x3], $0x40, s24, s24, $0xb8;
	[tilespmem:$0x14DB8] =	vst v63  }
0xb1: {  	_ =	swait.ge [sflag:s23], $0x5600  }
0xb2: {  	[sflag:s23] =	ssyncset.done $0x0  }
0xb3: {  	s12 =	rddreg [dreg:$0xa];
	[sflag:s23] =	ssyncadd.s32 $0xFFFFAA00  }
0xb4: {  	[tilespmem:s4], [sflag:$0x3] =	stream.linear.gather [hbm4b:s12+s4], $0x158, $0x38;
	[tilespmem:$0x14DB8] =	vst v63  }
0xb5: {  	_ =	swait.ge [sflag:s23], $0x158  }
0xb6: {  	[sflag:s23] =	ssyncset.done $0x0  }
0xb7: {  	[sflag:s23] =	ssyncadd.s32 $0xFFFFFEA8  }
0xb8: {  	[tilespmem:s0], [sflag:$0x3] =	stream.linear.gather [hbm4b:s15+s4], $0x18, $0x38;
	[tilespmem:$0x14DB8] =	vst v63  }
0xb9: {  	_ =	swait.ge [sflag:s23], $0x18  }
0xba: {  	[sflag:s23] =	ssyncset.done $0x0  }
0xbb: {  	[sflag:s23] =	ssyncadd.s32 $0xFFFFFFE8  }
0xbc: {  	[tilespmem:s25], [sflag:$0x1] =	stream.indirect.gather [hbm4b:s1+s24], $0x40, s4, s24, $0xb8;
	[tilespmem:$0x14DB8] =	vst v63  }
0xbd: {  	_ =	swait.ge [sflag:s30], $0x5600  }
0xbe: {  	[sflag:s30] =	ssyncset.done $0x0  }
0xbf: {  	s13 =	simm.s32 $0x18;
	s14 =	simm.s32 $0x5560;
	[sflag:s30] =	ssyncadd.s32 $0xFFFFAA00  }
0xc0: {  	[spmem:s2] =	stream.indirect.scatter.add.f32 [tilespmem:s14], [sflag:$0x3], $0x40, s0, s13, $0xb8;
	[tilespmem:$0x14DB8] =	vst v63  }
0xc1: {  	_ =	swait.ge [sflag:s23], $0x600  }
0xc2: {  	s3 =	sadd.s32 $0x1, s3;
	[sflag:s23] =	ssyncset.done $0x0  }
0xc3: {  	p0 =	sne.s32 s3, s17;
	[sflag:s23] =	ssyncadd.s32 $0xFFFFFA00  }
.Ltmp1:
0xc4: {  	[bflag:$0x0] =	sbarrier.arrive $0xFFFF;
	(pc) =	sbr.rel @p0 .LBB2_1-.Ltmp1, $4  }
0xc5: {  	[hbm:s16], [sflag:s9] =	dma.local [spmem:s7], $0x1388  }
0xc6: {  	_ =	swait.ge [sflag:s23], $0x1388  }
0xc7: {  	[sflag:s23] =	ssyncset.done $0x0  }
0xc8: {  	[sflag:s23] =	ssyncadd.s32 $0xFFFFEC78  }
0xc9: {  	_ =	sfence.sel $0x180000  }
0xca: {  	[bflag:$0x0] =	sbarrier.arrive $0xFFFF  }
0xcb: {  	_ =	strace $0x9000004D  }
0xcc: {  	s0 =	stileid.u32;
	[bflag:$0x2] =	sbarrier.arrive $0xFFFF  }
0xcd: {  	p0 =	sne.s32 s0, $0x0;
	s0 =	rddreg [dreg:$0x3]  }
0xce: {  	s0 =	sadd.s32 @!p0 $0x100000, s0  }
0xcf: {  	[sflag:s0] =	ssyncadd.tile.s32 @!p0 $0x1;
	_ =	shalt  }
.Lfunc_end2:
_tile_overlayer_lowered:
.L_overlay_start_2:
0xd0: {  	(tag) =	ssettag $0x2  }
0xd1: {  	s0 =	rddreg [dreg:$0x0];
	s2 =	stileid.u32  }
0xd2: {  	s1 =	rddreg [dreg:$0x1];
	p0 =	sne.s32 s2, $0x0  }
0xd3: {  	s3 =	rddreg [dreg:$0x2];
	[bflag:$0x3] =	sbarrier.arrive $0xFFFF;
	s2 =	simm.s32 @!p0 $0x1C03  }
0xd4: {  	[timem:s3], [sflag:s2] =	dma.local @!p0 [hbm:s0], s1  }
0xd5: {  	s0 =	simm.s32 @!p0 $0x3  }
0xd6: {  	_ =	swait.ge @!p0 [sflag:s0], s1  }
0xd7: {  	s1 =	ssub.s32 @!p0 $0x0, s1;
	[sflag:s0] =	ssyncset.done @!p0 $0x0  }
0xd8: {  	[sflag:s0] =	ssyncadd.s32 @!p0 s1  }
0xd9: {  	[bflag:$0x3] =	sbarrier.arrive $0xFFFF  }
0xda: {  	_ =	shalt  }

// kernel: kernel.8.cloned.1.call-start
scs
__scs_entry_jumppad:
0x0: {  	(pc) =	sbr.rel $0x88, $3  }
0x1: {  	(tag) =	ssettag $0x0;
	lr =	simm.s32 $0x1  }
0x2: {  	[smem:$0x3F9B] =	sst lr;
	_ =	strace $0xD0000000  }
0x3: {  	_ = 	snop  }
0x4: {  	_ = 	snop  }
0x5: {  	_ = 	snop  }
0x6: {  	_ = 	snop  }
0x7: {  	_ = 	snop  }
__scs_overlays_trampoline_lowered:
0x8: {  	[smem:$0x3FAA] =	sst s0  }
0x9: {  	[smem:$0x3FAB] =	sst s1  }
0xa: {  	[smem:$0x3FAC] =	sst s2  }
0xb: {  	[smem:$0x3FAD] =	sst s3  }
0xc: {  	[smem:$0x3FAE] =	sst s4  }
0xd: {  	[smem:$0x3FAF] =	sst s5  }
0xe: {  	[smem:$0x3FB0] =	sst s6  }
0xf: {  	[smem:$0x3FB1] =	sst s7  }
0x10: {  	[smem:$0x3FB2] =	sst s8  }
0x11: {  	[smem:$0x3FB3] =	sst s9;
	s0 =	simm.s32 @!p0 $0x0  }
0x12: {  	s1 =	sld [smem:$0x3F99];
	s0 =	simm.s32 @p0 $0x1  }
0x13: {  	[smem:$0x3FB4] =	sst s0;
	s0 =	simm.s32 @!p1 $0x0  }
0x14: {  	s2 =	sld [smem:$0x3F98];
	s0 =	simm.s32 @p1 $0x1  }
0x15: {  	[smem:$0x3FB5] =	sst s0;
	s0 =	simm.s32 @!p2 $0x0  }
0x16: {  	s3 =	sld [smem:$0x3FDB];
	s0 =	simm.s32 @p2 $0x1  }
0x17: {  	s4 =	simm.s32 $0x1BF5;
	[smem:$0x3FB7] =	sst s0  }
0x18: {  	s0 =	sld [smem:$0x3F9A];
	_ =	swait.ge [sflag:s4], $0x0  }
0x19: {  	s7 =	sld [smem:$0x3F9B]  }
0x1a: {  	s8 =	sadd.s32 $0xFFFFE003, lr  }
0x1b: {  	s9 =	sadd.s32 $0xFFFFFEF7, lr;
	s5 =	simm.s32 $0xFFFFFFFF;
	p2 =	slt.u32 s8, $0xFFFFF086  }
0x1c: {  	p1 =	slt.u32 s9, $0xF7A;
	s5 =	simm.s32 @!p2 $0x0  }
0x1d: {  	s5 =	simm.s32 @p1 $0x1;
	p0 =	seq.s32 s7, s2  }
0x1e: {  	s7 =	smul.u32 @!p0 $0xF7A, s2;
	p2 =	seq.s32 @!p0 s5, $0x0  }
0x1f: {  	s9 =	smul.u32 $0xF7A, s1;
	s8 =	simm.s32 @!p0 $0x1BF5;
	p2 =	por !p2, p0  }
0x20: {  	[sflag:s8] =	ssyncset.s32 @!p0 $0xFFFFF086;
	s6 =	sadd.s32 @!p0 s3, s7;
	s7 =	simm.s32 @!p0 $0x108  }
0x21: {  	s3 =	sadd.s32 s3, s9;
	s6 =	sadd.s32 @!p0 $0x88, s6;
	s7 =	simm.s32 @p2 $0x1082  }
0x22: {  	[simem:s7], [sflag:s8] =	dma.local @!p0 [hbm:s6], $0xF7A  }
0x23: {  	s9 =	sor.u32 $0xD0000000, s2;
	s6 =	simm.s32 $0x108;
	_ =	swait.ge @!p0 [sflag:s8], $0x0  }
0x24: {  	s3 =	sadd.s32 $0x88, s3;
	s6 =	simm.s32 @!p1 $0x1082;
	[sflag:s4] =	ssyncset.s32 $0xFFFFF086  }
0x25: {  	[simem:s6], [sflag:s4] =	dma.local [hbm:s3], $0xF7A  }
0x26: {  	[smem:$0x3F9B] =	sst s1;
	(tag) =	ssettag s2;
	_ =	strace s9  }
0x27: {  	s1 =	sld [smem:$0x3FAB]  }
0x28: {  	s2 =	sld [smem:$0x3FAC]  }
0x29: {  	s4 =	sld [smem:$0x3FAE]  }
0x2a: {  	p0 =	seq.s32 s5, $0x0;
	s5 =	sld [smem:$0x3FAF]  }
0x2b: {  	s6 =	sld [smem:$0x3FB0]  }
0x2c: {  	s7 =	sld [smem:$0x3FB1]  }
0x2d: {  	s3 =	simm.s32 $0x108;
	s8 =	sld [smem:$0x3FB2]  }
0x2e: {  	s3 =	simm.s32 @!p0 $0x1082;
	s9 =	sld [smem:$0x3FB3]  }
0x2f: {  	lr =	sadd.s32 s0, s3;
	s0 =	sld [smem:$0x3FAA]  }
0x30: {  	s3 =	sld [smem:$0x3FAD]  }
0x31: {  	[smem:$0x3FB6] =	sst s10  }
0x32: {  	s10 =	sld [smem:$0x3FB4];
	_ =	sdelay $0x3  }
0x33: {  	p0 =	seq.s32 s10, $0x1;
	s10 =	sld [smem:$0x3FB6];
	_ =	sdelay $0x3  }
0x34: {  	[smem:$0x3FB6] =	sst s10  }
0x35: {  	s10 =	sld [smem:$0x3FB5];
	_ =	sdelay $0x3  }
0x36: {  	p1 =	seq.s32 s10, $0x1;
	s10 =	sld [smem:$0x3FB6];
	_ =	sdelay $0x3  }
0x37: {  	[smem:$0x3FB6] =	sst s10  }
0x38: {  	s10 =	sld [smem:$0x3FB7]  }
0x39: {  	_ = 	snop;
	(pc) =	sbr.ind lr, $3  }
0x3a: {  	_ = 	snop  }
0x3b: {  	_ = 	snop  }
0x3c: {  	p2 =	seq.s32 s10, $0x1;
	s10 =	sld [smem:$0x3FB6]  }
0x3d: {  	_ =	shalt  }
0x3e: {  	_ =	shalt  }
0x3f: {  	_ =	shalt  }
0x40: {  	_ =	shalt  }
0x41: {  	_ =	shalt  }
0x42: {  	_ =	shalt  }
0x43: {  	_ =	shalt  }
0x44: {  	_ =	shalt  }
0x45: {  	_ =	shalt  }
0x46: {  	_ =	shalt  }
0x47: {  	_ =	shalt  }
0x48: {  	_ =	shalt  }
0x49: {  	_ =	shalt  }
0x4a: {  	_ =	shalt  }
0x4b: {  	_ =	shalt  }
0x4c: {  	_ =	shalt  }
0x4d: {  	_ =	shalt  }
0x4e: {  	_ =	shalt  }
0x4f: {  	_ =	shalt  }
0x50: {  	_ =	shalt  }
0x51: {  	_ =	shalt  }
0x52: {  	_ =	shalt  }
0x53: {  	_ =	shalt  }
0x54: {  	_ =	shalt  }
0x55: {  	_ =	shalt  }
0x56: {  	_ =	shalt  }
0x57: {  	_ =	shalt  }
0x58: {  	_ =	shalt  }
0x59: {  	_ =	shalt  }
0x5a: {  	_ =	shalt  }
0x5b: {  	_ =	shalt  }
0x5c: {  	_ =	shalt  }
0x5d: {  	_ =	shalt  }
0x5e: {  	_ =	shalt  }
0x5f: {  	_ =	shalt  }
0x60: {  	_ =	shalt  }
0x61: {  	_ =	shalt  }
0x62: {  	_ =	shalt  }
0x63: {  	_ =	shalt  }
0x64: {  	_ =	shalt  }
0x65: {  	_ =	shalt  }
0x66: {  	_ =	shalt  }
0x67: {  	_ =	shalt  }
0x68: {  	_ =	shalt  }
0x69: {  	_ =	shalt  }
0x6a: {  	_ =	shalt  }
0x6b: {  	_ =	shalt  }
0x6c: {  	_ =	shalt  }
0x6d: {  	_ =	shalt  }
0x6e: {  	_ =	shalt  }
0x6f: {  	_ =	shalt  }
0x70: {  	_ =	shalt  }
0x71: {  	_ =	shalt  }
0x72: {  	_ =	shalt  }
0x73: {  	_ =	shalt  }
0x74: {  	_ =	shalt  }
0x75: {  	_ =	shalt  }
0x76: {  	_ =	shalt  }
0x77: {  	_ =	shalt  }
0x78: {  	_ =	shalt  }
0x79: {  	_ =	shalt  }
0x7a: {  	_ =	shalt  }
0x7b: {  	_ =	shalt  }
0x7c: {  	_ =	shalt  }
0x7d: {  	_ =	shalt  }
0x7e: {  	_ =	shalt  }
0x7f: {  	_ =	shalt  }
0x80: {  	_ =	shalt  }
0x81: {  	_ =	shalt  }
0x82: {  	_ =	shalt  }
0x83: {  	_ =	shalt  }
0x84: {  	_ =	shalt  }
0x85: {  	_ =	shalt  }
0x86: {  	_ =	shalt  }
0x87: {  	_ =	shalt  }
.Lfunc_end0:
.L_simem_size_0:
called_computation_lowered:
.L_overlay_start_0:
0x88: {  	s2 =	sld [smem:$0x3FD9]  }
0x89: {  	s3 =	sld [smem:$0x3FFE];
	_ =	sdelay $0x1  }
0x8a: {  	s1 =	srdreg.scid  }
0x8b: {  	s0 =	sand.u32 $0x1, s1  }
0x8c: {  	s17 =	sshll.u32 s0, $0xA;
	s2 =	sadd.s32 s3, s2  }
0x8d: {  	s2 =	sadd.s32 s2, s17  }
0x8e: {  	[smem:$0x3FC2] =	sst s2  }
0x8f: {  	_ = 	snop  }
0x90: {  	s2 =	sld [smem:$0x3FD0];
	(tm) =	ssettm $0x1  }
0x91: {  	s18 =	sld [smem:$0x3FFB];
	_ =	sdelay $0x3  }
0x92: {  	_ =	strace s18  }
0x93: {  	s3 =	sld [smem:$0x3FFC];
	_ =	sdelay $0x3  }
0x94: {  	_ =	strace s3  }
0x95: {  	s3 =	sld [smem:$0x3FFD];
	_ =	sdelay $0x3  }
0x96: {  	_ =	strace s3  }
0x97: {  	_ =	strace $0x8FFFFFFF  }
0x98: {  	s19 =	sld [smem:$0x3FDB];
	_ =	sdelay $0x1  }
0x99: {  	s4 =	simm.s32 $_scs_section_size  }
0x9a: {  	s5 =	simm.s32 $_size__tile_overlayer_lowered;
	s6 =	simm.s32 $_tile_overlayer_lowered  }
0x9b: {  	s22 =	simm.s32 $0x1BFF;
	s21 =	sshll.u32 s6, $0x1;
	s3 =	sadd.s32 s4, s19  }
0x9c: {  	s7 =	simm.s32 $0x0;
	s20 =	sshll.u32 s5, $0x1;
	s5 =	sadd.s32 s21, s3  }
0x9d: {  	[timem:s7], [sflag:s22] =	dma.local [hbm:s5], s20  }
0x9e: {  	_ =	swait.ge [sflag:s22], s20  }
0x9f: {  	s4 =	ssub.s32 $0x0, s20;
	[sflag:s22] =	ssyncset.done $0x0  }
0xa0: {  	[sflag:s22] =	ssyncadd.s32 s4;
	_ =	sdelay $0x1  }
0xa1: {  	s23 =	simm.s32 $0x1B8B  }
0xa2: {  	_ =	swait.ge [sflag:s23], $0x1  }
0xa3: {  	[sflag:s23] =	ssyncset.done $0x0  }
0xa4: {  	s25 =	simm.s32 $0x1B8E;
	s24 =	sld [smem:$0x3FFE];
	[sflag:s23] =	ssyncadd.s32 $0xFFFFFFFF  }
0xa5: {  	s26 =	simm.s32 $execute0_lowered;
	[smem:$0x3FD2] =	sst s25  }
0xa6: {  	s5 =	sshll.u32 s26, $0x1;
	_ =	strace $0x80000046;
	[dreg:$0x1] =	wrdreg $0xFFFFFFFF  }
0xa7: {  	s28 =	simm.s32 $_size_execute0_lowered;
	s3 =	sadd.s32 s3, s5;
	[dreg:$0x0] =	wrdreg $0x0  }
0xa8: {  	s5 =	sshll.u32 s28, $0x1;
	[dreg:$0x2] =	wrdreg s3  }
0xa9: {  	[dreg:$0x3] =	wrdreg s5  }
0xaa: {  	[dreg:$0x4] =	wrdreg $0xC0  }
0xab: {  	_ =	task [dreg:s7], $0x5FFFF  }
0xac: {  	[dreg:$0x1] =	wrdreg $0xFFFFFFFF  }
0xad: {  	[dreg:$0x0] =	wrdreg $0x60  }
0xae: {  	[dreg:$0x2] =	wrdreg s24  }
0xaf: {  	[dreg:$0x3] =	wrdreg s2  }
0xb0: {  	[dreg:$0x4] =	wrdreg $0x9  }
0xb1: {  	_ =	task.clear_ibuf [dreg:s7], $0x5FFFF;
	_ =	strace $0x90000046  }
0xb2: {  	s29 =	simm.s32 $0x9;
	_ =	strace $0x80000048  }
0xb3: {  	_ =	swait.ge [sflag:s29], $0x1  }
0xb4: {  	[sflag:s29] =	ssyncadd.s32 $0xFFFFFFFF  }
0xb5: {  	_ =	strace $0x90000048  }
0xb6: {  	_ =	sfence  }
0xb7: {  	s30 =	sld [smem:$0x0];
	_ =	sdelay $0x2  }
0xb8: {  	s31 =	sshll.u32 s1, $0xD;
	s1 =	sshrl.u32 s1, $0x2  }
0xb9: {  	s3 =	sand.u32 $0x4000, s31;
	s1 =	sadd.s32 s1, s30  }
0xba: {  	s0 =	sor.u32 s3, s0;
	s1 =	sshll.u32 s1, $0x11  }
0xbb: {  	s0 =	sor.u32 s1, s0  }
0xbc: {  	s0 =	sadd.s32 $0x8F2B, s0  }
0xbd: {  	[sflag:s0] =	ssyncadd.remote.s32 $0x1  }
0xbe: {  	_ =	sfence.sel $0xFFFF  }
0xbf: {  	[dreg:$0x0] =	wrdreg $0xFFFFFFFF;
	(pc) =	sbr.abs _section_cstart, $3  }
0xc0: {  	[dreg:$0x1] =	wrdreg $0xFFFFFFFF  }
0xc1: {  	_ =	task.clear_ibuf [dreg:s7], $0x2FFFF;
	_ =	strace $0x9FFFFFFF  }
0xc2: {  	(tm) =	ssettm $0x7FFFFFFF  }
0xc3: {  	_ =	shalt  }
tec
execute0_lowered:
.L_overlay_start_1:
0x0: {  	(tag) =	ssettag $0x1  }
0x1: {  	s4 =	rddreg [dreg:$0x0]  }
0x2: {  	s1 =	srdreg.scid;
	s0 =	stileid.u32  }
0x3: {  	s6 =	rddreg [dreg:$0x1];
	s11 =	simm.s32 $0x4F00;
	s12 =	simm.s32 $0x7680  }
0x4: {  	s13 =	simm.s32 $0x80;
	s14 =	simm.s32 $0x400;
	s15 =	simm.s32 $0x0  }
0x5: {  	s3 =	sand.u32 $0x1, s1;
	s2 =	sshll.u32 s0, $0x1;
	s1 =	rddreg [dreg:$0x2]  }
0x6: {  	s7 =	sshrl.u32 s0, $0x2;
	s5 =	sor.u32 s3, s2;
	s2 =	simm.s32 $0x0  }
0x7: {  	s7 =	smul.u32 $0x13C00, s7;
	s31 =	ssub.s32 $0x2, s3;
	s3 =	sadd.s32 $0x15A00, s4  }
0x8: {  	s8 =	sshll.u32 s5, $0x7;
	[smem:$0x7FF] =	sst s2;
	s5 =	smul.u32 $0x4E2, s5  }
0x9: {  	s9 =	sshrl.u32 s31, $0x1;
	s8 =	sand.u32 $0x380, s8;
	_ =	strace $0x80000047  }
0xa: {  	s7 =	sor.u32 s7, s8;
	s5 =	sadd.s32 s5, s4;
	s8 =	ssub.s32 s31, s9  }
0xb: {  	s9 =	simm.s32 $0x1;
	s7 =	sshrl.u32 s7, $0x3;
	s8 =	smax.u32 s8, $0x1  }
0xc: {  	s10 =	sadd.s32 s7, s4;
	s4 =	sadd.s32 $0xBC00, s5;
	s5 =	sadd.s32 $0x1E00, s5  }
0xd: {  	v0 =	vimm.f32 $1.000000000e+00;
	s6 =	sadd.s32 s6, s7;
	s7 =	sadd.s32 $0x16000, s10;
	s10 =	simm.s32 $0x2780  }
.LBB2_1:
0xe: {  	[tilespmem:s2], [sflag:$0x1] =	stream.linear.gather [hbm4b:s4+s2], $0x2710, $0x38;
	[tilespmem:$0x9E00] =	vst v63  }
0xf: {  	_ =	swait.ge [sflag:s9], $0x2710  }
0x10: {  	[sflag:s9] =	ssyncset.done $0x0  }
0x11: {  	[sflag:s9] =	ssyncadd.s32 $0xFFFFD8F0  }
0x12: {  	[tilespmem:s10], [sflag:$0x1] =	stream.linear.gather [hbm4b:s5+s2], $0x2710, $0x38;
	[tilespmem:$0x9E00] =	vst v63  }
0x13: {  	_ =	swait.ge [sflag:s9], $0x2710  }
0x14: {  	[sflag:s9] =	ssyncset.done $0x0  }
0x15: {  	[sflag:s9] =	ssyncadd.s32 $0xFFFFD8F0  }
0x16: {  	[tilespmem:s11], [sflag:$0x1] =	stream.linear.gather [hbm4b:s3+s2], $0x2780, $0x38;
	[tilespmem:$0x9E00] =	vst v63  }
0x17: {  	_ =	swait.ge [sflag:s9], $0x2780  }
0x18: {  	[sflag:s9] =	ssyncset.done $0x0  }
0x19: {  	[sflag:s9] =	ssyncadd.s32 $0xFFFFD880  }
0x1a: {  	[tilespmem:s12], [sflag:$0x1] =	stream.linear.gather [hbm4b:s3+s2], $0x2780, $0x38;
	[tilespmem:$0x9E00] =	vst v63  }
0x1b: {  	_ =	swait.ge [sflag:s9], $0x2780  }
0x1c: {  	[sflag:s9] =	ssyncset.done $0x0  }
0x1d: {  	s17 =	simm.s32 $0x0;
	s16 =	simm.s32 $0x40;
	[sflag:s9] =	ssyncadd.s32 $0xFFFFD880  }
.LBB2_2:
0x1e: {  	p0 =	sne.s32 s16, $0x9C00;
	v1 =	vld [tilespmem:s17+$0x0];
	_ =	sdelay $0x7  }
0x1f: {  	[tilespmem:v1+s11+$0x0] =	vst.idx.add.f32.msk $0xffff, v0  }
0x20: {  	v1 =	vld [tilespmem:s17+$0x2780];
	_ =	sdelay $0x3  }
.Ltmp0:
0x21: {  	(pc) =	sbr.rel @p0 .LBB2_2-.Ltmp0, $2  }
0x22: {  	_ =	sdelay $0x2  }
0x23: {  	s17 =	sshra.s32 s16, $0x2;
	s16 =	sadd.s32 $0x40, s16;
	[tilespmem:v1+s12+$0x0] =	vst.idx.add.f32.msk $0xffff, v0  }
0x24: {  	v1 =	vld [tilespmem:s17+$0x0];
	_ =	sdelay $0x7  }
0x25: {  	[tilespmem:v1+s11+$0x0] =	vst.idx.add.f32.msk $0xffff, v0  }
0x26: {  	v1 =	vld [tilespmem:s17+$0x2780];
	_ =	sdelay $0x7  }
0x27: {  	[tilespmem:v1+s12+$0x0] =	vst.idx.add.f32.msk $0xffff, v0  }
0x28: {  	[hbm4b:s6+s13] =	stream.strided.scatter [tilespmem:s11], [sflag:$0x1], $0x2780, s14, s13, $0x38;
	[tilespmem:$0x9E00] =	vst v63  }
0x29: {  	s15 =	sadd.s32 $0x1, s15;
	_ =	swait.ge [sflag:s9], $0x2780  }
0x2a: {  	p0 =	sne.s32 s15, s8;
	[sflag:s9] =	ssyncset.done $0x0  }
.Ltmp1:
0x2b: {  	[sflag:s9] =	ssyncadd.s32 $0xFFFFD880;
	(pc) =	sbr.rel @p0 .LBB2_1-.Ltmp1, $4  }
0x2c: {  	[hbm4b:s7+s13] =	stream.strided.scatter [tilespmem:s12], [sflag:$0x1], $0x2780, s14, s13, $0x38;
	[tilespmem:$0x9E00] =	vst v63  }
0x2d: {  	_ =	swait.ge [sflag:s9], $0x2780  }
0x2e: {  	[sflag:s9] =	ssyncset.done $0x0  }
0x2f: {  	[sflag:s9] =	ssyncadd.s32 $0xFFFFD880  }
0x30: {  	_ =	sfence.sel $0x180000  }
0x31: {  	[bflag:$0x0] =	sbarrier.arrive $0xFFFF  }
0x32: {  	p0 =	sne.s32 s0, $0x0;
	_ =	strace $0x90000047  }
0x33: {  	s0 =	sadd.s32 @!p0 $0x100000, s1;
	[bflag:$0x2] =	sbarrier.arrive $0xFFFF  }
0x34: {  	[sflag:s0] =	ssyncadd.tile.s32 @!p0 $0x1;
	_ =	shalt  }
.Lfunc_end2:
_tile_overlayer_lowered:
.L_overlay_start_2:
0x35: {  	(tag) =	ssettag $0x2  }
0x36: {  	s0 =	rddreg [dreg:$0x0];
	s2 =	stileid.u32  }
0x37: {  	s1 =	rddreg [dreg:$0x1];
	p0 =	sne.s32 s2, $0x0  }
0x38: {  	s3 =	rddreg [dreg:$0x2];
	[bflag:$0x3] =	sbarrier.arrive $0xFFFF;
	s2 =	simm.s32 @!p0 $0x1C01  }
0x39: {  	[timem:s3], [sflag:s2] =	dma.local @!p0 [hbm:s0], s1  }
0x3a: {  	s0 =	simm.s32 @!p0 $0x1  }
0x3b: {  	_ =	swait.ge @!p0 [sflag:s0], s1  }
0x3c: {  	s1 =	ssub.s32 @!p0 $0x0, s1;
	[sflag:s0] =	ssyncset.done @!p0 $0x0  }
0x3d: {  	[sflag:s0] =	ssyncadd.s32 @!p0 s1  }
0x3e: {  	[bflag:$0x3] =	sbarrier.arrive $0xFFFF  }
0x3f: {  	_ =	shalt  }

</sc_bundles>
